<compile_context>
chip_gen: v7x
topology: tpu7x:2x2x1
jax: 0.10.2.dev20260603
libtpu: 0.0.44.dev20260713+nightly
codegen_flags: <defaults>
</compile_context>

<pallas_src>
import functools

import jax
import jax.numpy as jnp
from jax import lax
from jax.experimental import pallas as pl
from jax.experimental.pallas import tpu as pltpu
from jax.experimental.pallas import tpu_sc as plsc

_KHOT = 128
_RCOLD = 16
_NPAIR = _RCOLD // 2
_NG = _NPAIR // 2
_D = 64
_NC, _NS, _L = 2, 16, 16
_NW = _NC * _NS
_TBL = 1 << 20


def _sc_map(tokens_flat, old_to_new):
    n = tokens_flat.shape[0]
    per_w = n // _NW
    mesh = plsc.VectorSubcoreMesh(core_axis_name="c", subcore_axis_name="s")

    @functools.partial(
        pl.kernel,
        out_type=(
            jax.ShapeDtypeStruct((n,), jnp.int32),
            jax.ShapeDtypeStruct((n,), jnp.int32),
        ),
        mesh=mesh,
        scratch_types=[
            pltpu.VMEM((per_w,), jnp.int32),
            pltpu.VMEM((per_w,), jnp.int32),
            pltpu.VMEM((per_w,), jnp.int32),
            pltpu.SemaphoreType.DMA,
        ],
        compiler_params=pltpu.CompilerParams(use_tc_tiling_on_sc=False),
    )
    def k(tok_hbm, o2n_hbm, newtok_hbm, ci_hbm, tok_v, nt_v, ci_v, sem):
        wid = lax.axis_index("s") * _NC + lax.axis_index("c")
        base = wid * per_w
        pltpu.sync_copy(tok_hbm.at[pl.ds(base, per_w)], tok_v)
        pltpu.async_copy(o2n_hbm.at[tok_v], nt_v, sem).wait()

        def body(i, carry):
            nt = nt_v[pl.ds(i * _L, _L)]
            ci_v[pl.ds(i * _L, _L)] = jnp.maximum(nt - _KHOT, 0)
            return carry

        lax.fori_loop(0, per_w // _L, body, 0)
        pltpu.sync_copy(nt_v, newtok_hbm.at[pl.ds(base, per_w)])
        pltpu.sync_copy(ci_v, ci_hbm.at[pl.ds(base, per_w)])

    return k(tokens_flat, old_to_new)


def _pack_body(in_ref, *out_refs):
    for p in range(_NG):
        lo = jax.lax.bitcast_convert_type(in_ref[2 * p, :], jnp.int32)
        hi = jax.lax.bitcast_convert_type(in_ref[2 * p + 1, :], jnp.int32)
        lo16 = jax.lax.shift_right_logical(lo + 0x8000, 16)
        hi16 = jax.lax.shift_right_logical(hi + 0x8000, 16)
        out_refs[p][...] = jax.lax.shift_left(hi16, 16) | lo16


def _tc_pack(U_cold_T, v, rb):
    blk = _TBL // 8
    grid_k = (v + blk - 1) // blk
    return pl.pallas_call(
        _pack_body,
        grid=(grid_k,),
        in_specs=[pl.BlockSpec((2 * _NG, blk), lambda k, rb=rb: (rb, k))],
        out_specs=[pl.BlockSpec((blk,), lambda k: (k,))
                   for _ in range(_NG)],
        out_shape=[jax.ShapeDtypeStruct((_TBL,), jnp.int32)
                   for _ in range(_NG)],
    )(U_cold_T)


def _sc_gather(cold_idx, packed):
    n = cold_idx.shape[0]
    per_w = n // _NW
    mesh = plsc.VectorSubcoreMesh(core_axis_name="c", subcore_axis_name="s")

    @functools.partial(
        pl.kernel,
        out_type=tuple(jax.ShapeDtypeStruct((n,), jnp.int32)
                       for _ in range(_NG)),
        mesh=mesh,
        scratch_types=[
            pltpu.VMEM((per_w,), jnp.int32),
            pltpu.VMEM((_NG, per_w), jnp.int32),
            pltpu.SemaphoreType.DMA,
        ],
        compiler_params=pltpu.CompilerParams(use_tc_tiling_on_sc=False),
    )
    def k(ci_hbm, t0, t1, t2, t3, u0, u1, u2, u3, ci_v, ucP_v, sem):
        outs = (u0, u1, u2, u3)
        tables = (t0, t1, t2, t3)
        wid = lax.axis_index("s") * _NC + lax.axis_index("c")
        base = wid * per_w
        pltpu.sync_copy(ci_hbm.at[pl.ds(base, per_w)], ci_v)
        copies = [
            pltpu.async_copy(tables[p].at[ci_v], ucP_v.at[p], sem)
            for p in range(_NG)
        ]
        for c in copies:
            c.wait()
        for p in range(_NG):
            pltpu.sync_copy(ucP_v.at[p], outs[p].at[pl.ds(base, per_w)])

    return k(cold_idx, *packed)


def _tc_body(nt_ref, a0, a1, a2, a3, b0, b1, b2, b3,
             uhot_ref, bhot_ref, bcat_ref, out_ref):
    nt = nt_ref[0, 0, :]
    wa = jnp.stack([a0[...], a1[...], a2[...], a3[...]])
    wb = jnp.stack([b0[...], b1[...], b2[...], b3[...]])
    cat = jnp.concatenate([
        jax.lax.bitcast_convert_type(jax.lax.shift_left(wa, 16), jnp.float32),
        jax.lax.bitcast_convert_type(wa & jnp.int32(-65536), jnp.float32),
        jax.lax.bitcast_convert_type(jax.lax.shift_left(wb, 16), jnp.float32),
        jax.lax.bitcast_convert_type(wb & jnp.int32(-65536), jnp.float32),
    ], axis=0)
    coldT = lax.dot_general(bcat_ref[...], cat, (((0,), (0,)), ((), ())),
                            preferred_element_type=jnp.float32)
    out_ref[0] = coldT
    any_hot = jnp.min(nt) < _KHOT

    @pl.when(any_hot)
    def _():
        hot_tab = jnp.dot(uhot_ref[...], bhot_ref[...],
                          preferred_element_type=jnp.float32)
        ids = lax.broadcasted_iota(jnp.int32, (_KHOT, 1), 0)
        onehotT = (ids == nt[None, :]).astype(jnp.float32)
        hotT = lax.dot_general(hot_tab, onehotT,
                               (((0,), (0,)), ((), ())),
                               preferred_element_type=jnp.float32)
        is_hot = nt[None, :] < _KHOT
        out_ref[0] = jnp.where(is_hot, hotT, coldT)


def _tc_combine(new_tok_u, ucPa, ucPb, U_hot, B_hot, B_cat, n_rows, n_cols):
    blk = 4096
    kb = n_cols // blk
    nt3 = new_tok_u.reshape(n_rows, 1, n_cols)
    oned = pl.BlockSpec((blk,), lambda s, k: (s * kb + k,))
    return pl.pallas_call(
        _tc_body,
        grid=(n_rows, kb),
        in_specs=[
            pl.BlockSpec((1, 1, blk), lambda s, k: (s, 0, k)),
            oned, oned, oned, oned, oned, oned, oned, oned,
            pl.BlockSpec((_KHOT, _D), lambda s, k: (0, 0)),
            pl.BlockSpec((_D, _D), lambda s, k: (0, 0)),
            pl.BlockSpec((_RCOLD, _D), lambda s, k: (0, 0)),
        ],
        out_specs=pl.BlockSpec((1, _D, blk), lambda s, k: (s, 0, k)),
        out_shape=jax.ShapeDtypeStruct((n_rows, _D, n_cols), jnp.float32),
    )(nt3, *ucPa, *ucPb, U_hot, B_hot, B_cat)


def kernel(tokens, old_to_new, U_hot, U_cold, B_hot, B_cold):
    n_rows, n_cols = tokens.shape[1], tokens.shape[0]
    v = U_cold.shape[0]
    tok_u = jnp.transpose(tokens).reshape(-1)
    U_cold_T = jnp.transpose(U_cold)
    new_tok_u, cold_idx = _sc_map(tok_u, old_to_new)
    packed_a = _tc_pack(U_cold_T, v, 0)
    ucPa = _sc_gather(cold_idx, packed_a)
    packed_b = _tc_pack(U_cold_T, v, 1)
    ucPb = _sc_gather(cold_idx, packed_b)
    B_cat = B_cold[jnp.array([0, 2, 4, 6, 1, 3, 5, 7,
                              8, 10, 12, 14, 9, 11, 13, 15]), :]
    out_T = _tc_combine(new_tok_u, ucPa, ucPb, U_hot, B_hot, B_cat,
                        n_rows, n_cols)
    return jnp.transpose(out_T, (2, 0, 1))

# --- scband reference (transcript-rebuilt; emitter-appended) ---
"""Pipeline reference for scband-stratified-low-rank-10118942949940 (READ-ONLY COPY).

The authoritative reference and input builder live on the scoring server;
editing this copy changes nothing except your own understanding.
"""

import jax, jax.numpy as jnp
import numpy as np
import math

V = 1000000
D = 64
R_HOT = 64
R_COLD = 16
K_HOT = 128

def setup_inputs(seed: int = 0) -> dict:
    key = jax.random.key(seed)
    ks = jax.random.split(key, 5)
    tokens = jax.random.randint(ks[0], (4096, 50), 0, V, dtype=jnp.int32)
    # buffers: identical construction to the torch __init__
    hot_ids = np.arange(K_HOT)
    mask = np.zeros(V, dtype=bool)
    mask[hot_ids] = True
    cold_ids = np.arange(V)[~mask]
    new_to_old = np.concatenate([hot_ids, cold_ids]).astype(np.int64)
    old_to_new = np.empty(V, dtype=np.int64)
    old_to_new[new_to_old] = np.arange(V)
    old_to_new = jnp.asarray(old_to_new, dtype=jnp.int32)
    # parameters, sized per init_kwargs
    B_hot = jax.random.normal(ks[1], (R_HOT, D), dtype=jnp.float32) / math.sqrt(R_HOT)
    B_cold = jax.random.normal(ks[2], (R_COLD, D), dtype=jnp.float32) / math.sqrt(R_COLD)
    U_hot = jax.random.normal(ks[3], (K_HOT, R_HOT), dtype=jnp.float32) / math.sqrt(R_HOT)
    U_cold = jax.random.normal(ks[4], (V - K_HOT, R_COLD), dtype=jnp.float32) / math.sqrt(R_COLD)
    return {"tokens": tokens, "old_to_new": old_to_new, "U_hot": U_hot, "U_cold": U_cold, "B_hot": B_hot, "B_cold": B_cold}

def reference(tokens, old_to_new, U_hot, U_cold, B_hot, B_cold):
    # faithful jax translation of StratifiedLowRank.encode
    new_tok = jnp.take(old_to_new, tokens, axis=0)
    is_hot = new_tok < K_HOT
    # clip indices so both branch gathers are in-range; select with where
    hot_idx = jnp.clip(new_tok, 0, K_HOT - 1)
    cold_idx = jnp.clip(new_tok - K_HOT, 0, V - K_HOT - 1)
    hot_emb = jnp.take(U_hot, hot_idx, axis=0) @ B_hot
    cold_emb = jnp.take(U_cold, cold_idx, axis=0) @ B_cold
    out = jnp.where(is_hot[..., None], hot_emb, cold_emb)
    return out

if __name__ == "__main__":
    import jax
    _d = setup_inputs()
    print(jax.jit(kernel)(*tuple(_d.values())))

</pallas_src>

<mosaic_0001>
#map = affine_map<(d0, d1) -> (0)>
module attributes {stable_mosaic.version = 14 : i64} {
  func.func @k(%arg0: i32, %arg1: i32, %arg2: memref<204800xi32, #tpu.memory_space<hbm>>, %arg3: memref<1048576xi32, #tpu.memory_space<hbm>>, %arg4: memref<1048576xi32, #tpu.memory_space<hbm>>, %arg5: memref<1048576xi32, #tpu.memory_space<hbm>>, %arg6: memref<1048576xi32, #tpu.memory_space<hbm>>, %arg7: memref<204800xi32, #tpu.memory_space<hbm>>, %arg8: memref<204800xi32, #tpu.memory_space<hbm>>, %arg9: memref<204800xi32, #tpu.memory_space<hbm>>, %arg10: memref<204800xi32, #tpu.memory_space<hbm>>, %arg11: memref<6400xi32, #tpu.memory_space<vmem>>, %arg12: memref<4x6400xi32, #tpu.memory_space<vmem>>, %arg13: memref<!tpu.dma_semaphore, #tpu.memory_space<semaphore_mem>>) attributes {dimension_semantics = [#tpu.dimension_semantics<core_parallel>, #tpu.dimension_semantics<subcore_parallel>], iteration_bounds = array<i64: 2, 16>, scalar_prefetch = 0 : i64, scratch_operands = 3 : i64, tpu.core_type = #tpu.core_type<sc_vector_subcore>, window_params = [{transform_indices = #map}, {transform_indices = #map}, {transform_indices = #map}, {transform_indices = #map}, {transform_indices = #map}, {transform_indices = #map}, {transform_indices = #map}, {transform_indices = #map}, {transform_indices = #map}]} {
    %mul3A = arith.constant 2 : i32
    %mul3A_0 = arith.muli %arg1, %mul3A : i32
    %add3A = arith.addi %mul3A_0, %arg0 : i32
    %mul3A_1 = arith.constant 6400 : i32
    %mul3A_2 = arith.muli %add3A, %mul3A_1 : i32
    "tpu.region"() ({
      %run_scoped3A_52 = tpu.sem_alloc : memref<!tpu.dma_semaphore, #tpu.memory_space<semaphore_mem>>
      %dma_start3A_53 = tpu.memref_slice %arg2[%mul3A_2] : memref<204800xi32, #tpu.memory_space<hbm>> -> memref<6400xi32, #tpu.memory_space<hbm>>
      %dma_start3A_54 = tpu.memref_slice %arg2[%mul3A_2] : memref<204800xi32, #tpu.memory_space<hbm>> -> memref<6400xi32, #tpu.memory_space<hbm>>
      tpu.enqueue_dma source(%dma_start3A_54 : memref<6400xi32, #tpu.memory_space<hbm>>) target(%arg11 : memref<6400xi32, #tpu.memory_space<vmem>>) target_semaphore(%run_scoped3A_52 : memref<!tpu.dma_semaphore, #tpu.memory_space<semaphore_mem>>)
      %dma_wait3A_55 = tpu.memref_slice %arg2[%mul3A_2] : memref<204800xi32, #tpu.memory_space<hbm>> -> memref<6400xi32, #tpu.memory_space<hbm>>
      %dma_wait3A_56 = tpu.memref_slice %arg2[%mul3A_2] : memref<204800xi32, #tpu.memory_space<hbm>> -> memref<6400xi32, #tpu.memory_space<hbm>>
      tpu.wait_dma2 semaphore(%run_scoped3A_52 : memref<!tpu.dma_semaphore, #tpu.memory_space<semaphore_mem>>) src(%dma_wait3A_56 : memref<6400xi32, #tpu.memory_space<hbm>>) dst(%arg11 : memref<6400xi32, #tpu.memory_space<vmem>>)
      tpu.yield
    }) : () -> ()
    %dma_start3A = arith.constant 0 : i32
    %dma_start3A_3 = arith.constant 0 : i32
    %dma_start3A_4 = tpu.memref_slice %arg12[%dma_start3A, %dma_start3A_3] : memref<4x6400xi32, #tpu.memory_space<vmem>> -> memref<1x6400xi32, #tpu.memory_space<vmem>>
    %dma_start3A_5 = tpu.memref_squeeze %dma_start3A_4 : memref<1x6400xi32, #tpu.memory_space<vmem>> -> memref<6400xi32, #tpu.memory_space<vmem>>
    %dma_start3A_6 = arith.constant 0 : i32
    %dma_start3A_7 = tpu.memref_slice %arg3[%dma_start3A_6] : memref<1048576xi32, #tpu.memory_space<hbm>> -> memref<1048576xi32, #tpu.memory_space<hbm>>
    tpu.enqueue_indirect_dma source(%dma_start3A_7 : memref<1048576xi32, #tpu.memory_space<hbm>>) target(%dma_start3A_5 : memref<6400xi32, #tpu.memory_space<vmem>>) offsets(%arg11 : memref<6400xi32, #tpu.memory_space<vmem>>) semaphore(%arg13 : memref<!tpu.dma_semaphore, #tpu.memory_space<semaphore_mem>>)
    %dma_start3A_8 = arith.constant 1 : i32
    %dma_start3A_9 = arith.constant 0 : i32
    %dma_start3A_10 = tpu.memref_slice %arg12[%dma_start3A_8, %dma_start3A_9] : memref<4x6400xi32, #tpu.memory_space<vmem>> -> memref<1x6400xi32, #tpu.memory_space<vmem>>
    %dma_start3A_11 = tpu.memref_squeeze %dma_start3A_10 : memref<1x6400xi32, #tpu.memory_space<vmem>> -> memref<6400xi32, #tpu.memory_space<vmem>>
    %dma_start3A_12 = arith.constant 0 : i32
    %dma_start3A_13 = tpu.memref_slice %arg4[%dma_start3A_12] : memref<1048576xi32, #tpu.memory_space<hbm>> -> memref<1048576xi32, #tpu.memory_space<hbm>>
    tpu.enqueue_indirect_dma source(%dma_start3A_13 : memref<1048576xi32, #tpu.memory_space<hbm>>) target(%dma_start3A_11 : memref<6400xi32, #tpu.memory_space<vmem>>) offsets(%arg11 : memref<6400xi32, #tpu.memory_space<vmem>>) semaphore(%arg13 : memref<!tpu.dma_semaphore, #tpu.memory_space<semaphore_mem>>)
    %dma_start3A_14 = arith.constant 2 : i32
    %dma_start3A_15 = arith.constant 0 : i32
    %dma_start3A_16 = tpu.memref_slice %arg12[%dma_start3A_14, %dma_start3A_15] : memref<4x6400xi32, #tpu.memory_space<vmem>> -> memref<1x6400xi32, #tpu.memory_space<vmem>>
    %dma_start3A_17 = tpu.memref_squeeze %dma_start3A_16 : memref<1x6400xi32, #tpu.memory_space<vmem>> -> memref<6400xi32, #tpu.memory_space<vmem>>
    %dma_start3A_18 = arith.constant 0 : i32
    %dma_start3A_19 = tpu.memref_slice %arg5[%dma_start3A_18] : memref<1048576xi32, #tpu.memory_space<hbm>> -> memref<1048576xi32, #tpu.memory_space<hbm>>
    tpu.enqueue_indirect_dma source(%dma_start3A_19 : memref<1048576xi32, #tpu.memory_space<hbm>>) target(%dma_start3A_17 : memref<6400xi32, #tpu.memory_space<vmem>>) offsets(%arg11 : memref<6400xi32, #tpu.memory_space<vmem>>) semaphore(%arg13 : memref<!tpu.dma_semaphore, #tpu.memory_space<semaphore_mem>>)
    %dma_start3A_20 = arith.constant 3 : i32
    %dma_start3A_21 = arith.constant 0 : i32
    %dma_start3A_22 = tpu.memref_slice %arg12[%dma_start3A_20, %dma_start3A_21] : memref<4x6400xi32, #tpu.memory_space<vmem>> -> memref<1x6400xi32, #tpu.memory_space<vmem>>
    %dma_start3A_23 = tpu.memref_squeeze %dma_start3A_22 : memref<1x6400xi32, #tpu.memory_space<vmem>> -> memref<6400xi32, #tpu.memory_space<vmem>>
    %dma_start3A_24 = arith.constant 0 : i32
    %dma_start3A_25 = tpu.memref_slice %arg6[%dma_start3A_24] : memref<1048576xi32, #tpu.memory_space<hbm>> -> memref<1048576xi32, #tpu.memory_space<hbm>>
    tpu.enqueue_indirect_dma source(%dma_start3A_25 : memref<1048576xi32, #tpu.memory_space<hbm>>) target(%dma_start3A_23 : memref<6400xi32, #tpu.memory_space<vmem>>) offsets(%arg11 : memref<6400xi32, #tpu.memory_space<vmem>>) semaphore(%arg13 : memref<!tpu.dma_semaphore, #tpu.memory_space<semaphore_mem>>)
    %dma_wait3A = arith.constant 0 : i32
    %dma_wait3A_26 = arith.constant 0 : i32
    %dma_wait3A_27 = tpu.memref_slice %arg12[%dma_wait3A, %dma_wait3A_26] : memref<4x6400xi32, #tpu.memory_space<vmem>> -> memref<1x6400xi32, #tpu.memory_space<vmem>>
    %dma_wait3A_28 = tpu.memref_squeeze %dma_wait3A_27 : memref<1x6400xi32, #tpu.memory_space<vmem>> -> memref<6400xi32, #tpu.memory_space<vmem>>
    %dma_wait3A_29 = arith.constant 0 : i32
    %dma_wait3A_30 = tpu.memref_slice %arg3[%dma_wait3A_29] : memref<1048576xi32, #tpu.memory_space<hbm>> -> memref<1048576xi32, #tpu.memory_space<hbm>>
    tpu.wait_indirect_dma semaphore(%arg13 : memref<!tpu.dma_semaphore, #tpu.memory_space<semaphore_mem>>) src(%dma_wait3A_30 : memref<1048576xi32, #tpu.memory_space<hbm>>) dst(%dma_wait3A_28 : memref<6400xi32, #tpu.memory_space<vmem>>)
    %dma_wait3A_31 = arith.constant 1 : i32
    %dma_wait3A_32 = arith.constant 0 : i32
    %dma_wait3A_33 = tpu.memref_slice %arg12[%dma_wait3A_31, %dma_wait3A_32] : memref<4x6400xi32, #tpu.memory_space<vmem>> -> memref<1x6400xi32, #tpu.memory_space<vmem>>
    %dma_wait3A_34 = tpu.memref_squeeze %dma_wait3A_33 : memref<1x6400xi32, #tpu.memory_space<vmem>> -> memref<6400xi32, #tpu.memory_space<vmem>>
    %dma_wait3A_35 = arith.constant 0 : i32
    %dma_wait3A_36 = tpu.memref_slice %arg4[%dma_wait3A_35] : memref<1048576xi32, #tpu.memory_space<hbm>> -> memref<1048576xi32, #tpu.memory_space<hbm>>
    tpu.wait_indirect_dma semaphore(%arg13 : memref<!tpu.dma_semaphore, #tpu.memory_space<semaphore_mem>>) src(%dma_wait3A_36 : memref<1048576xi32, #tpu.memory_space<hbm>>) dst(%dma_wait3A_34 : memref<6400xi32, #tpu.memory_space<vmem>>)
    %dma_wait3A_37 = arith.constant 2 : i32
    %dma_wait3A_38 = arith.constant 0 : i32
    %dma_wait3A_39 = tpu.memref_slice %arg12[%dma_wait3A_37, %dma_wait3A_38] : memref<4x6400xi32, #tpu.memory_space<vmem>> -> memref<1x6400xi32, #tpu.memory_space<vmem>>
    %dma_wait3A_40 = tpu.memref_squeeze %dma_wait3A_39 : memref<1x6400xi32, #tpu.memory_space<vmem>> -> memref<6400xi32, #tpu.memory_space<vmem>>
    %dma_wait3A_41 = arith.constant 0 : i32
    %dma_wait3A_42 = tpu.memref_slice %arg5[%dma_wait3A_41] : memref<1048576xi32, #tpu.memory_space<hbm>> -> memref<1048576xi32, #tpu.memory_space<hbm>>
    tpu.wait_indirect_dma semaphore(%arg13 : memref<!tpu.dma_semaphore, #tpu.memory_space<semaphore_mem>>) src(%dma_wait3A_42 : memref<1048576xi32, #tpu.memory_space<hbm>>) dst(%dma_wait3A_40 : memref<6400xi32, #tpu.memory_space<vmem>>)
    %dma_wait3A_43 = arith.constant 3 : i32
    %dma_wait3A_44 = arith.constant 0 : i32
    %dma_wait3A_45 = tpu.memref_slice %arg12[%dma_wait3A_43, %dma_wait3A_44] : memref<4x6400xi32, #tpu.memory_space<vmem>> -> memref<1x6400xi32, #tpu.memory_space<vmem>>
    %dma_wait3A_46 = tpu.memref_squeeze %dma_wait3A_45 : memref<1x6400xi32, #tpu.memory_space<vmem>> -> memref<6400xi32, #tpu.memory_space<vmem>>
    %dma_wait3A_47 = arith.constant 0 : i32
    %dma_wait3A_48 = tpu.memref_slice %arg6[%dma_wait3A_47] : memref<1048576xi32, #tpu.memory_space<hbm>> -> memref<1048576xi32, #tpu.memory_space<hbm>>
    tpu.wait_indirect_dma semaphore(%arg13 : memref<!tpu.dma_semaphore, #tpu.memory_space<semaphore_mem>>) src(%dma_wait3A_48 : memref<1048576xi32, #tpu.memory_space<hbm>>) dst(%dma_wait3A_46 : memref<6400xi32, #tpu.memory_space<vmem>>)
    %run_scoped3A = arith.constant 0 : i32
    "tpu.region"() ({
      %run_scoped3A_52 = tpu.sem_alloc : memref<!tpu.dma_semaphore, #tpu.memory_space<semaphore_mem>>
      %dma_start3A_53 = arith.constant 0 : i32
      %dma_start3A_54 = tpu.memref_slice %arg12[%run_scoped3A, %dma_start3A_53] : memref<4x6400xi32, #tpu.memory_space<vmem>> -> memref<1x6400xi32, #tpu.memory_space<vmem>>
      %dma_start3A_55 = tpu.memref_squeeze %dma_start3A_54 : memref<1x6400xi32, #tpu.memory_space<vmem>> -> memref<6400xi32, #tpu.memory_space<vmem>>
      %dma_start3A_56 = tpu.memref_slice %arg7[%mul3A_2] : memref<204800xi32, #tpu.memory_space<hbm>> -> memref<6400xi32, #tpu.memory_space<hbm>>
      %dma_start3A_57 = tpu.memref_slice %arg7[%mul3A_2] : memref<204800xi32, #tpu.memory_space<hbm>> -> memref<6400xi32, #tpu.memory_space<hbm>>
      %dma_start3A_58 = arith.constant 0 : i32
      %dma_start3A_59 = tpu.memref_slice %arg12[%run_scoped3A, %dma_start3A_58] : memref<4x6400xi32, #tpu.memory_space<vmem>> -> memref<1x6400xi32, #tpu.memory_space<vmem>>
      %dma_start3A_60 = tpu.memref_squeeze %dma_start3A_59 : memref<1x6400xi32, #tpu.memory_space<vmem>> -> memref<6400xi32, #tpu.memory_space<vmem>>
      tpu.enqueue_dma source(%dma_start3A_60 : memref<6400xi32, #tpu.memory_space<vmem>>) target(%dma_start3A_57 : memref<6400xi32, #tpu.memory_space<hbm>>) target_semaphore(%run_scoped3A_52 : memref<!tpu.dma_semaphore, #tpu.memory_space<semaphore_mem>>)
      %dma_wait3A_61 = arith.constant 0 : i32
      %dma_wait3A_62 = tpu.memref_slice %arg12[%run_scoped3A, %dma_wait3A_61] : memref<4x6400xi32, #tpu.memory_space<vmem>> -> memref<1x6400xi32, #tpu.memory_space<vmem>>
      %dma_wait3A_63 = tpu.memref_squeeze %dma_wait3A_62 : memref<1x6400xi32, #tpu.memory_space<vmem>> -> memref<6400xi32, #tpu.memory_space<vmem>>
      %dma_wait3A_64 = tpu.memref_slice %arg7[%mul3A_2] : memref<204800xi32, #tpu.memory_space<hbm>> -> memref<6400xi32, #tpu.memory_space<hbm>>
      %dma_wait3A_65 = tpu.memref_slice %arg7[%mul3A_2] : memref<204800xi32, #tpu.memory_space<hbm>> -> memref<6400xi32, #tpu.memory_space<hbm>>
      %dma_wait3A_66 = arith.constant 0 : i32
      %dma_wait3A_67 = tpu.memref_slice %arg12[%run_scoped3A, %dma_wait3A_66] : memref<4x6400xi32, #tpu.memory_space<vmem>> -> memref<1x6400xi32, #tpu.memory_space<vmem>>
      %dma_wait3A_68 = tpu.memref_squeeze %dma_wait3A_67 : memref<1x6400xi32, #tpu.memory_space<vmem>> -> memref<6400xi32, #tpu.memory_space<vmem>>
      tpu.wait_dma2 semaphore(%run_scoped3A_52 : memref<!tpu.dma_semaphore, #tpu.memory_space<semaphore_mem>>) src(%dma_wait3A_68 : memref<6400xi32, #tpu.memory_space<vmem>>) dst(%dma_wait3A_65 : memref<6400xi32, #tpu.memory_space<hbm>>)
      tpu.yield
    }) : () -> ()
    %run_scoped3A_49 = arith.constant 1 : i32
    "tpu.region"() ({
      %run_scoped3A_52 = tpu.sem_alloc : memref<!tpu.dma_semaphore, #tpu.memory_space<semaphore_mem>>
      %dma_start3A_53 = arith.constant 0 : i32
      %dma_start3A_54 = tpu.memref_slice %arg12[%run_scoped3A_49, %dma_start3A_53] : memref<4x6400xi32, #tpu.memory_space<vmem>> -> memref<1x6400xi32, #tpu.memory_space<vmem>>
      %dma_start3A_55 = tpu.memref_squeeze %dma_start3A_54 : memref<1x6400xi32, #tpu.memory_space<vmem>> -> memref<6400xi32, #tpu.memory_space<vmem>>
      %dma_start3A_56 = tpu.memref_slice %arg8[%mul3A_2] : memref<204800xi32, #tpu.memory_space<hbm>> -> memref<6400xi32, #tpu.memory_space<hbm>>
      %dma_start3A_57 = tpu.memref_slice %arg8[%mul3A_2] : memref<204800xi32, #tpu.memory_space<hbm>> -> memref<6400xi32, #tpu.memory_space<hbm>>
      %dma_start3A_58 = arith.constant 0 : i32
      %dma_start3A_59 = tpu.memref_slice %arg12[%run_scoped3A_49, %dma_start3A_58] : memref<4x6400xi32, #tpu.memory_space<vmem>> -> memref<1x6400xi32, #tpu.memory_space<vmem>>
      %dma_start3A_60 = tpu.memref_squeeze %dma_start3A_59 : memref<1x6400xi32, #tpu.memory_space<vmem>> -> memref<6400xi32, #tpu.memory_space<vmem>>
      tpu.enqueue_dma source(%dma_start3A_60 : memref<6400xi32, #tpu.memory_space<vmem>>) target(%dma_start3A_57 : memref<6400xi32, #tpu.memory_space<hbm>>) target_semaphore(%run_scoped3A_52 : memref<!tpu.dma_semaphore, #tpu.memory_space<semaphore_mem>>)
      %dma_wait3A_61 = arith.constant 0 : i32
      %dma_wait3A_62 = tpu.memref_slice %arg12[%run_scoped3A_49, %dma_wait3A_61] : memref<4x6400xi32, #tpu.memory_space<vmem>> -> memref<1x6400xi32, #tpu.memory_space<vmem>>
      %dma_wait3A_63 = tpu.memref_squeeze %dma_wait3A_62 : memref<1x6400xi32, #tpu.memory_space<vmem>> -> memref<6400xi32, #tpu.memory_space<vmem>>
      %dma_wait3A_64 = tpu.memref_slice %arg8[%mul3A_2] : memref<204800xi32, #tpu.memory_space<hbm>> -> memref<6400xi32, #tpu.memory_space<hbm>>
      %dma_wait3A_65 = tpu.memref_slice %arg8[%mul3A_2] : memref<204800xi32, #tpu.memory_space<hbm>> -> memref<6400xi32, #tpu.memory_space<hbm>>
      %dma_wait3A_66 = arith.constant 0 : i32
      %dma_wait3A_67 = tpu.memref_slice %arg12[%run_scoped3A_49, %dma_wait3A_66] : memref<4x6400xi32, #tpu.memory_space<vmem>> -> memref<1x6400xi32, #tpu.memory_space<vmem>>
      %dma_wait3A_68 = tpu.memref_squeeze %dma_wait3A_67 : memref<1x6400xi32, #tpu.memory_space<vmem>> -> memref<6400xi32, #tpu.memory_space<vmem>>
      tpu.wait_dma2 semaphore(%run_scoped3A_52 : memref<!tpu.dma_semaphore, #tpu.memory_space<semaphore_mem>>) src(%dma_wait3A_68 : memref<6400xi32, #tpu.memory_space<vmem>>) dst(%dma_wait3A_65 : memref<6400xi32, #tpu.memory_space<hbm>>)
      tpu.yield
    }) : () -> ()
    %run_scoped3A_50 = arith.constant 2 : i32
    "tpu.region"() ({
      %run_scoped3A_52 = tpu.sem_alloc : memref<!tpu.dma_semaphore, #tpu.memory_space<semaphore_mem>>
      %dma_start3A_53 = arith.constant 0 : i32
      %dma_start3A_54 = tpu.memref_slice %arg12[%run_scoped3A_50, %dma_start3A_53] : memref<4x6400xi32, #tpu.memory_space<vmem>> -> memref<1x6400xi32, #tpu.memory_space<vmem>>
      %dma_start3A_55 = tpu.memref_squeeze %dma_start3A_54 : memref<1x6400xi32, #tpu.memory_space<vmem>> -> memref<6400xi32, #tpu.memory_space<vmem>>
      %dma_start3A_56 = tpu.memref_slice %arg9[%mul3A_2] : memref<204800xi32, #tpu.memory_space<hbm>> -> memref<6400xi32, #tpu.memory_space<hbm>>
      %dma_start3A_57 = tpu.memref_slice %arg9[%mul3A_2] : memref<204800xi32, #tpu.memory_space<hbm>> -> memref<6400xi32, #tpu.memory_space<hbm>>
      %dma_start3A_58 = arith.constant 0 : i32
      %dma_start3A_59 = tpu.memref_slice %arg12[%run_scoped3A_50, %dma_start3A_58] : memref<4x6400xi32, #tpu.memory_space<vmem>> -> memref<1x6400xi32, #tpu.memory_space<vmem>>
      %dma_start3A_60 = tpu.memref_squeeze %dma_start3A_59 : memref<1x6400xi32, #tpu.memory_space<vmem>> -> memref<6400xi32, #tpu.memory_space<vmem>>
      tpu.enqueue_dma source(%dma_start3A_60 : memref<6400xi32, #tpu.memory_space<vmem>>) target(%dma_start3A_57 : memref<6400xi32, #tpu.memory_space<hbm>>) target_semaphore(%run_scoped3A_52 : memref<!tpu.dma_semaphore, #tpu.memory_space<semaphore_mem>>)
      %dma_wait3A_61 = arith.constant 0 : i32
      %dma_wait3A_62 = tpu.memref_slice %arg12[%run_scoped3A_50, %dma_wait3A_61] : memref<4x6400xi32, #tpu.memory_space<vmem>> -> memref<1x6400xi32, #tpu.memory_space<vmem>>
      %dma_wait3A_63 = tpu.memref_squeeze %dma_wait3A_62 : memref<1x6400xi32, #tpu.memory_space<vmem>> -> memref<6400xi32, #tpu.memory_space<vmem>>
      %dma_wait3A_64 = tpu.memref_slice %arg9[%mul3A_2] : memref<204800xi32, #tpu.memory_space<hbm>> -> memref<6400xi32, #tpu.memory_space<hbm>>
      %dma_wait3A_65 = tpu.memref_slice %arg9[%mul3A_2] : memref<204800xi32, #tpu.memory_space<hbm>> -> memref<6400xi32, #tpu.memory_space<hbm>>
      %dma_wait3A_66 = arith.constant 0 : i32
      %dma_wait3A_67 = tpu.memref_slice %arg12[%run_scoped3A_50, %dma_wait3A_66] : memref<4x6400xi32, #tpu.memory_space<vmem>> -> memref<1x6400xi32, #tpu.memory_space<vmem>>
      %dma_wait3A_68 = tpu.memref_squeeze %dma_wait3A_67 : memref<1x6400xi32, #tpu.memory_space<vmem>> -> memref<6400xi32, #tpu.memory_space<vmem>>
      tpu.wait_dma2 semaphore(%run_scoped3A_52 : memref<!tpu.dma_semaphore, #tpu.memory_space<semaphore_mem>>) src(%dma_wait3A_68 : memref<6400xi32, #tpu.memory_space<vmem>>) dst(%dma_wait3A_65 : memref<6400xi32, #tpu.memory_space<hbm>>)
      tpu.yield
    }) : () -> ()
    %run_scoped3A_51 = arith.constant 3 : i32
    "tpu.region"() ({
      %run_scoped3A_52 = tpu.sem_alloc : memref<!tpu.dma_semaphore, #tpu.memory_space<semaphore_mem>>
      %dma_start3A_53 = arith.constant 0 : i32
      %dma_start3A_54 = tpu.memref_slice %arg12[%run_scoped3A_51, %dma_start3A_53] : memref<4x6400xi32, #tpu.memory_space<vmem>> -> memref<1x6400xi32, #tpu.memory_space<vmem>>
      %dma_start3A_55 = tpu.memref_squeeze %dma_start3A_54 : memref<1x6400xi32, #tpu.memory_space<vmem>> -> memref<6400xi32, #tpu.memory_space<vmem>>
      %dma_start3A_56 = tpu.memref_slice %arg10[%mul3A_2] : memref<204800xi32, #tpu.memory_space<hbm>> -> memref<6400xi32, #tpu.memory_space<hbm>>
      %dma_start3A_57 = tpu.memref_slice %arg10[%mul3A_2] : memref<204800xi32, #tpu.memory_space<hbm>> -> memref<6400xi32, #tpu.memory_space<hbm>>
      %dma_start3A_58 = arith.constant 0 : i32
      %dma_start3A_59 = tpu.memref_slice %arg12[%run_scoped3A_51, %dma_start3A_58] : memref<4x6400xi32, #tpu.memory_space<vmem>> -> memref<1x6400xi32, #tpu.memory_space<vmem>>
      %dma_start3A_60 = tpu.memref_squeeze %dma_start3A_59 : memref<1x6400xi32, #tpu.memory_space<vmem>> -> memref<6400xi32, #tpu.memory_space<vmem>>
      tpu.enqueue_dma source(%dma_start3A_60 : memref<6400xi32, #tpu.memory_space<vmem>>) target(%dma_start3A_57 : memref<6400xi32, #tpu.memory_space<hbm>>) target_semaphore(%run_scoped3A_52 : memref<!tpu.dma_semaphore, #tpu.memory_space<semaphore_mem>>)
      %dma_wait3A_61 = arith.constant 0 : i32
      %dma_wait3A_62 = tpu.memref_slice %arg12[%run_scoped3A_51, %dma_wait3A_61] : memref<4x6400xi32, #tpu.memory_space<vmem>> -> memref<1x6400xi32, #tpu.memory_space<vmem>>
      %dma_wait3A_63 = tpu.memref_squeeze %dma_wait3A_62 : memref<1x6400xi32, #tpu.memory_space<vmem>> -> memref<6400xi32, #tpu.memory_space<vmem>>
      %dma_wait3A_64 = tpu.memref_slice %arg10[%mul3A_2] : memref<204800xi32, #tpu.memory_space<hbm>> -> memref<6400xi32, #tpu.memory_space<hbm>>
      %dma_wait3A_65 = tpu.memref_slice %arg10[%mul3A_2] : memref<204800xi32, #tpu.memory_space<hbm>> -> memref<6400xi32, #tpu.memory_space<hbm>>
      %dma_wait3A_66 = arith.constant 0 : i32
      %dma_wait3A_67 = tpu.memref_slice %arg12[%run_scoped3A_51, %dma_wait3A_66] : memref<4x6400xi32, #tpu.memory_space<vmem>> -> memref<1x6400xi32, #tpu.memory_space<vmem>>
      %dma_wait3A_68 = tpu.memref_squeeze %dma_wait3A_67 : memref<1x6400xi32, #tpu.memory_space<vmem>> -> memref<6400xi32, #tpu.memory_space<vmem>>
      tpu.wait_dma2 semaphore(%run_scoped3A_52 : memref<!tpu.dma_semaphore, #tpu.memory_space<semaphore_mem>>) src(%dma_wait3A_68 : memref<6400xi32, #tpu.memory_space<vmem>>) dst(%dma_wait3A_65 : memref<6400xi32, #tpu.memory_space<hbm>>)
      tpu.yield
    }) : () -> ()
    return
  }
}

#map = affine_map<(d0, d1) -> (0)>
module attributes {stable_mosaic.version = 14 : i64} {
  func.func @k(%arg0: i32, %arg1: i32, %arg2: memref<204800xi32, #tpu.memory_space<hbm>>, %arg3: memref<1048576xi32, #tpu.memory_space<hbm>>, %arg4: memref<1048576xi32, #tpu.memory_space<hbm>>, %arg5: memref<1048576xi32, #tpu.memory_space<hbm>>, %arg6: memref<1048576xi32, #tpu.memory_space<hbm>>, %arg7: memref<204800xi32, #tpu.memory_space<hbm>>, %arg8: memref<204800xi32, #tpu.memory_space<hbm>>, %arg9: memref<204800xi32, #tpu.memory_space<hbm>>, %arg10: memref<204800xi32, #tpu.memory_space<hbm>>, %arg11: memref<6400xi32, #tpu.memory_space<vmem>>, %arg12: memref<4x6400xi32, #tpu.memory_space<vmem>>, %arg13: memref<!tpu.dma_semaphore, #tpu.memory_space<semaphore_mem>>) attributes {dimension_semantics = [#tpu.dimension_semantics<core_parallel>, #tpu.dimension_semantics<subcore_parallel>], iteration_bounds = array<i64: 2, 16>, scalar_prefetch = 0 : i64, scratch_operands = 3 : i64, tpu.core_type = #tpu.core_type<sc_vector_subcore>, window_params = [{transform_indices = #map}, {transform_indices = #map}, {transform_indices = #map}, {transform_indices = #map}, {transform_indices = #map}, {transform_indices = #map}, {transform_indices = #map}, {transform_indices = #map}, {transform_indices = #map}]} {
    %mul3A = arith.constant 2 : i32
    %mul3A_0 = arith.muli %arg1, %mul3A : i32
    %add3A = arith.addi %mul3A_0, %arg0 : i32
    %mul3A_1 = arith.constant 6400 : i32
    %mul3A_2 = arith.muli %add3A, %mul3A_1 : i32
    "tpu.region"() ({
      %run_scoped3A_52 = tpu.sem_alloc : memref<!tpu.dma_semaphore, #tpu.memory_space<semaphore_mem>>
      %dma_start3A_53 = tpu.memref_slice %arg2[%mul3A_2] : memref<204800xi32, #tpu.memory_space<hbm>> -> memref<6400xi32, #tpu.memory_space<hbm>>
      %dma_start3A_54 = tpu.memref_slice %arg2[%mul3A_2] : memref<204800xi32, #tpu.memory_space<hbm>> -> memref<6400xi32, #tpu.memory_space<hbm>>
      tpu.enqueue_dma source(%dma_start3A_54 : memref<6400xi32, #tpu.memory_space<hbm>>) target(%arg11 : memref<6400xi32, #tpu.memory_space<vmem>>) target_semaphore(%run_scoped3A_52 : memref<!tpu.dma_semaphore, #tpu.memory_space<semaphore_mem>>)
      %dma_wait3A_55 = tpu.memref_slice %arg2[%mul3A_2] : memref<204800xi32, #tpu.memory_space<hbm>> -> memref<6400xi32, #tpu.memory_space<hbm>>
      %dma_wait3A_56 = tpu.memref_slice %arg2[%mul3A_2] : memref<204800xi32, #tpu.memory_space<hbm>> -> memref<6400xi32, #tpu.memory_space<hbm>>
      tpu.wait_dma2 semaphore(%run_scoped3A_52 : memref<!tpu.dma_semaphore, #tpu.memory_space<semaphore_mem>>) src(%dma_wait3A_56 : memref<6400xi32, #tpu.memory_space<hbm>>) dst(%arg11 : memref<6400xi32, #tpu.memory_space<vmem>>)
      tpu.yield
    }) : () -> ()
    %dma_start3A = arith.constant 0 : i32
    %dma_start3A_3 = arith.constant 0 : i32
    %dma_start3A_4 = tpu.memref_slice %arg12[%dma_start3A, %dma_start3A_3] : memref<4x6400xi32, #tpu.memory_space<vmem>> -> memref<1x6400xi32, #tpu.memory_space<vmem>>
    %dma_start3A_5 = tpu.memref_squeeze %dma_start3A_4 : memref<1x6400xi32, #tpu.memory_space<vmem>> -> memref<6400xi32, #tpu.memory_space<vmem>>
    %dma_start3A_6 = arith.constant 0 : i32
    %dma_start3A_7 = tpu.memref_slice %arg3[%dma_start3A_6] : memref<1048576xi32, #tpu.memory_space<hbm>> -> memref<1048576xi32, #tpu.memory_space<hbm>>
    tpu.enqueue_indirect_dma source(%dma_start3A_7 : memref<1048576xi32, #tpu.memory_space<hbm>>) target(%dma_start3A_5 : memref<6400xi32, #tpu.memory_space<vmem>>) offsets(%arg11 : memref<6400xi32, #tpu.memory_space<vmem>>) semaphore(%arg13 : memref<!tpu.dma_semaphore, #tpu.memory_space<semaphore_mem>>)
    %dma_start3A_8 = arith.constant 1 : i32
    %dma_start3A_9 = arith.constant 0 : i32
    %dma_start3A_10 = tpu.memref_slice %arg12[%dma_start3A_8, %dma_start3A_9] : memref<4x6400xi32, #tpu.memory_space<vmem>> -> memref<1x6400xi32, #tpu.memory_space<vmem>>
    %dma_start3A_11 = tpu.memref_squeeze %dma_start3A_10 : memref<1x6400xi32, #tpu.memory_space<vmem>> -> memref<6400xi32, #tpu.memory_space<vmem>>
    %dma_start3A_12 = arith.constant 0 : i32
    %dma_start3A_13 = tpu.memref_slice %arg4[%dma_start3A_12] : memref<1048576xi32, #tpu.memory_space<hbm>> -> memref<1048576xi32, #tpu.memory_space<hbm>>
    tpu.enqueue_indirect_dma source(%dma_start3A_13 : memref<1048576xi32, #tpu.memory_space<hbm>>) target(%dma_start3A_11 : memref<6400xi32, #tpu.memory_space<vmem>>) offsets(%arg11 : memref<6400xi32, #tpu.memory_space<vmem>>) semaphore(%arg13 : memref<!tpu.dma_semaphore, #tpu.memory_space<semaphore_mem>>)
    %dma_start3A_14 = arith.constant 2 : i32
    %dma_start3A_15 = arith.constant 0 : i32
    %dma_start3A_16 = tpu.memref_slice %arg12[%dma_start3A_14, %dma_start3A_15] : memref<4x6400xi32, #tpu.memory_space<vmem>> -> memref<1x6400xi32, #tpu.memory_space<vmem>>
    %dma_start3A_17 = tpu.memref_squeeze %dma_start3A_16 : memref<1x6400xi32, #tpu.memory_space<vmem>> -> memref<6400xi32, #tpu.memory_space<vmem>>
    %dma_start3A_18 = arith.constant 0 : i32
    %dma_start3A_19 = tpu.memref_slice %arg5[%dma_start3A_18] : memref<1048576xi32, #tpu.memory_space<hbm>> -> memref<1048576xi32, #tpu.memory_space<hbm>>
    tpu.enqueue_indirect_dma source(%dma_start3A_19 : memref<1048576xi32, #tpu.memory_space<hbm>>) target(%dma_start3A_17 : memref<6400xi32, #tpu.memory_space<vmem>>) offsets(%arg11 : memref<6400xi32, #tpu.memory_space<vmem>>) semaphore(%arg13 : memref<!tpu.dma_semaphore, #tpu.memory_space<semaphore_mem>>)
    %dma_start3A_20 = arith.constant 3 : i32
    %dma_start3A_21 = arith.constant 0 : i32
    %dma_start3A_22 = tpu.memref_slice %arg12[%dma_start3A_20, %dma_start3A_21] : memref<4x6400xi32, #tpu.memory_space<vmem>> -> memref<1x6400xi32, #tpu.memory_space<vmem>>
    %dma_start3A_23 = tpu.memref_squeeze %dma_start3A_22 : memref<1x6400xi32, #tpu.memory_space<vmem>> -> memref<6400xi32, #tpu.memory_space<vmem>>
    %dma_start3A_24 = arith.constant 0 : i32
    %dma_start3A_25 = tpu.memref_slice %arg6[%dma_start3A_24] : memref<1048576xi32, #tpu.memory_space<hbm>> -> memref<1048576xi32, #tpu.memory_space<hbm>>
    tpu.enqueue_indirect_dma source(%dma_start3A_25 : memref<1048576xi32, #tpu.memory_space<hbm>>) target(%dma_start3A_23 : memref<6400xi32, #tpu.memory_space<vmem>>) offsets(%arg11 : memref<6400xi32, #tpu.memory_space<vmem>>) semaphore(%arg13 : memref<!tpu.dma_semaphore, #tpu.memory_space<semaphore_mem>>)
    %dma_wait3A = arith.constant 0 : i32
    %dma_wait3A_26 = arith.constant 0 : i32
    %dma_wait3A_27 = tpu.memref_slice %arg12[%dma_wait3A, %dma_wait3A_26] : memref<4x6400xi32, #tpu.memory_space<vmem>> -> memref<1x6400xi32, #tpu.memory_space<vmem>>
    %dma_wait3A_28 = tpu.memref_squeeze %dma_wait3A_27 : memref<1x6400xi32, #tpu.memory_space<vmem>> -> memref<6400xi32, #tpu.memory_space<vmem>>
    %dma_wait3A_29 = arith.constant 0 : i32
    %dma_wait3A_30 = tpu.memref_slice %arg3[%dma_wait3A_29] : memref<1048576xi32, #tpu.memory_space<hbm>> -> memref<1048576xi32, #tpu.memory_space<hbm>>
    tpu.wait_indirect_dma semaphore(%arg13 : memref<!tpu.dma_semaphore, #tpu.memory_space<semaphore_mem>>) src(%dma_wait3A_30 : memref<1048576xi32, #tpu.memory_space<hbm>>) dst(%dma_wait3A_28 : memref<6400xi32, #tpu.memory_space<vmem>>)
    %dma_wait3A_31 = arith.constant 1 : i32
    %dma_wait3A_32 = arith.constant 0 : i32
    %dma_wait3A_33 = tpu.memref_slice %arg12[%dma_wait3A_31, %dma_wait3A_32] : memref<4x6400xi32, #tpu.memory_space<vmem>> -> memref<1x6400xi32, #tpu.memory_space<vmem>>
    %dma_wait3A_34 = tpu.memref_squeeze %dma_wait3A_33 : memref<1x6400xi32, #tpu.memory_space<vmem>> -> memref<6400xi32, #tpu.memory_space<vmem>>
    %dma_wait3A_35 = arith.constant 0 : i32
    %dma_wait3A_36 = tpu.memref_slice %arg4[%dma_wait3A_35] : memref<1048576xi32, #tpu.memory_space<hbm>> -> memref<1048576xi32, #tpu.memory_space<hbm>>
    tpu.wait_indirect_dma semaphore(%arg13 : memref<!tpu.dma_semaphore, #tpu.memory_space<semaphore_mem>>) src(%dma_wait3A_36 : memref<1048576xi32, #tpu.memory_space<hbm>>) dst(%dma_wait3A_34 : memref<6400xi32, #tpu.memory_space<vmem>>)
    %dma_wait3A_37 = arith.constant 2 : i32
    %dma_wait3A_38 = arith.constant 0 : i32
    %dma_wait3A_39 = tpu.memref_slice %arg12[%dma_wait3A_37, %dma_wait3A_38] : memref<4x6400xi32, #tpu.memory_space<vmem>> -> memref<1x6400xi32, #tpu.memory_space<vmem>>
    %dma_wait3A_40 = tpu.memref_squeeze %dma_wait3A_39 : memref<1x6400xi32, #tpu.memory_space<vmem>> -> memref<6400xi32, #tpu.memory_space<vmem>>
    %dma_wait3A_41 = arith.constant 0 : i32
    %dma_wait3A_42 = tpu.memref_slice %arg5[%dma_wait3A_41] : memref<1048576xi32, #tpu.memory_space<hbm>> -> memref<1048576xi32, #tpu.memory_space<hbm>>
    tpu.wait_indirect_dma semaphore(%arg13 : memref<!tpu.dma_semaphore, #tpu.memory_space<semaphore_mem>>) src(%dma_wait3A_42 : memref<1048576xi32, #tpu.memory_space<hbm>>) dst(%dma_wait3A_40 : memref<6400xi32, #tpu.memory_space<vmem>>)
    %dma_wait3A_43 = arith.constant 3 : i32
    %dma_wait3A_44 = arith.constant 0 : i32
    %dma_wait3A_45 = tpu.memref_slice %arg12[%dma_wait3A_43, %dma_wait3A_44] : memref<4x6400xi32, #tpu.memory_space<vmem>> -> memref<1x6400xi32, #tpu.memory_space<vmem>>
    %dma_wait3A_46 = tpu.memref_squeeze %dma_wait3A_45 : memref<1x6400xi32, #tpu.memory_space<vmem>> -> memref<6400xi32, #tpu.memory_space<vmem>>
    %dma_wait3A_47 = arith.constant 0 : i32
    %dma_wait3A_48 = tpu.memref_slice %arg6[%dma_wait3A_47] : memref<1048576xi32, #tpu.memory_space<hbm>> -> memref<1048576xi32, #tpu.memory_space<hbm>>
    tpu.wait_indirect_dma semaphore(%arg13 : memref<!tpu.dma_semaphore, #tpu.memory_space<semaphore_mem>>) src(%dma_wait3A_48 : memref<1048576xi32, #tpu.memory_space<hbm>>) dst(%dma_wait3A_46 : memref<6400xi32, #tpu.memory_space<vmem>>)
    %run_scoped3A = arith.constant 0 : i32
    "tpu.region"() ({
      %run_scoped3A_52 = tpu.sem_alloc : memref<!tpu.dma_semaphore, #tpu.memory_space<semaphore_mem>>
      %dma_start3A_53 = arith.constant 0 : i32
      %dma_start3A_54 = tpu.memref_slice %arg12[%run_scoped3A, %dma_start3A_53] : memref<4x6400xi32, #tpu.memory_space<vmem>> -> memref<1x6400xi32, #tpu.memory_space<vmem>>
      %dma_start3A_55 = tpu.memref_squeeze %dma_start3A_54 : memref<1x6400xi32, #tpu.memory_space<vmem>> -> memref<6400xi32, #tpu.memory_space<vmem>>
      %dma_start3A_56 = tpu.memref_slice %arg7[%mul3A_2] : memref<204800xi32, #tpu.memory_space<hbm>> -> memref<6400xi32, #tpu.memory_space<hbm>>
      %dma_start3A_57 = tpu.memref_slice %arg7[%mul3A_2] : memref<204800xi32, #tpu.memory_space<hbm>> -> memref<6400xi32, #tpu.memory_space<hbm>>
      %dma_start3A_58 = arith.constant 0 : i32
      %dma_start3A_59 = tpu.memref_slice %arg12[%run_scoped3A, %dma_start3A_58] : memref<4x6400xi32, #tpu.memory_space<vmem>> -> memref<1x6400xi32, #tpu.memory_space<vmem>>
      %dma_start3A_60 = tpu.memref_squeeze %dma_start3A_59 : memref<1x6400xi32, #tpu.memory_space<vmem>> -> memref<6400xi32, #tpu.memory_space<vmem>>
      tpu.enqueue_dma source(%dma_start3A_60 : memref<6400xi32, #tpu.memory_space<vmem>>) target(%dma_start3A_57 : memref<6400xi32, #tpu.memory_space<hbm>>) target_semaphore(%run_scoped3A_52 : memref<!tpu.dma_semaphore, #tpu.memory_space<semaphore_mem>>)
      %dma_wait3A_61 = arith.constant 0 : i32
      %dma_wait3A_62 = tpu.memref_slice %arg12[%run_scoped3A, %dma_wait3A_61] : memref<4x6400xi32, #tpu.memory_space<vmem>> -> memref<1x6400xi32, #tpu.memory_space<vmem>>
      %dma_wait3A_63 = tpu.memref_squeeze %dma_wait3A_62 : memref<1x6400xi32, #tpu.memory_space<vmem>> -> memref<6400xi32, #tpu.memory_space<vmem>>
      %dma_wait3A_64 = tpu.memref_slice %arg7[%mul3A_2] : memref<204800xi32, #tpu.memory_space<hbm>> -> memref<6400xi32, #tpu.memory_space<hbm>>
      %dma_wait3A_65 = tpu.memref_slice %arg7[%mul3A_2] : memref<204800xi32, #tpu.memory_space<hbm>> -> memref<6400xi32, #tpu.memory_space<hbm>>
      %dma_wait3A_66 = arith.constant 0 : i32
      %dma_wait3A_67 = tpu.memref_slice %arg12[%run_scoped3A, %dma_wait3A_66] : memref<4x6400xi32, #tpu.memory_space<vmem>> -> memref<1x6400xi32, #tpu.memory_space<vmem>>
      %dma_wait3A_68 = tpu.memref_squeeze %dma_wait3A_67 : memref<1x6400xi32, #tpu.memory_space<vmem>> -> memref<6400xi32, #tpu.memory_space<vmem>>
      tpu.wait_dma2 semaphore(%run_scoped3A_52 : memref<!tpu.dma_semaphore, #tpu.memory_space<semaphore_mem>>) src(%dma_wait3A_68 : memref<6400xi32, #tpu.memory_space<vmem>>) dst(%dma_wait3A_65 : memref<6400xi32, #tpu.memory_space<hbm>>)
      tpu.yield
    }) : () -> ()
    %run_scoped3A_49 = arith.constant 1 : i32
    "tpu.region"() ({
      %run_scoped3A_52 = tpu.sem_alloc : memref<!tpu.dma_semaphore, #tpu.memory_space<semaphore_mem>>
      %dma_start3A_53 = arith.constant 0 : i32
      %dma_start3A_54 = tpu.memref_slice %arg12[%run_scoped3A_49, %dma_start3A_53] : memref<4x6400xi32, #tpu.memory_space<vmem>> -> memref<1x6400xi32, #tpu.memory_space<vmem>>
      %dma_start3A_55 = tpu.memref_squeeze %dma_start3A_54 : memref<1x6400xi32, #tpu.memory_space<vmem>> -> memref<6400xi32, #tpu.memory_space<vmem>>
      %dma_start3A_56 = tpu.memref_slice %arg8[%mul3A_2] : memref<204800xi32, #tpu.memory_space<hbm>> -> memref<6400xi32, #tpu.memory_space<hbm>>
      %dma_start3A_57 = tpu.memref_slice %arg8[%mul3A_2] : memref<204800xi32, #tpu.memory_space<hbm>> -> memref<6400xi32, #tpu.memory_space<hbm>>
      %dma_start3A_58 = arith.constant 0 : i32
      %dma_start3A_59 = tpu.memref_slice %arg12[%run_scoped3A_49, %dma_start3A_58] : memref<4x6400xi32, #tpu.memory_space<vmem>> -> memref<1x6400xi32, #tpu.memory_space<vmem>>
      %dma_start3A_60 = tpu.memref_squeeze %dma_start3A_59 : memref<1x6400xi32, #tpu.memory_space<vmem>> -> memref<6400xi32, #tpu.memory_space<vmem>>
      tpu.enqueue_dma source(%dma_start3A_60 : memref<6400xi32, #tpu.memory_space<vmem>>) target(%dma_start3A_57 : memref<6400xi32, #tpu.memory_space<hbm>>) target_semaphore(%run_scoped3A_52 : memref<!tpu.dma_semaphore, #tpu.memory_space<semaphore_mem>>)
      %dma_wait3A_61 = arith.constant 0 : i32
      %dma_wait3A_62 = tpu.memref_slice %arg12[%run_scoped3A_49, %dma_wait3A_61] : memref<4x6400xi32, #tpu.memory_space<vmem>> -> memref<1x6400xi32, #tpu.memory_space<vmem>>
      %dma_wait3A_63 = tpu.memref_squeeze %dma_wait3A_62 : memref<1x6400xi32, #tpu.memory_space<vmem>> -> memref<6400xi32, #tpu.memory_space<vmem>>
      %dma_wait3A_64 = tpu.memref_slice %arg8[%mul3A_2] : memref<204800xi32, #tpu.memory_space<hbm>> -> memref<6400xi32, #tpu.memory_space<hbm>>
      %dma_wait3A_65 = tpu.memref_slice %arg8[%mul3A_2] : memref<204800xi32, #tpu.memory_space<hbm>> -> memref<6400xi32, #tpu.memory_space<hbm>>
      %dma_wait3A_66 = arith.constant 0 : i32
      %dma_wait3A_67 = tpu.memref_slice %arg12[%run_scoped3A_49, %dma_wait3A_66] : memref<4x6400xi32, #tpu.memory_space<vmem>> -> memref<1x6400xi32, #tpu.memory_space<vmem>>
      %dma_wait3A_68 = tpu.memref_squeeze %dma_wait3A_67 : memref<1x6400xi32, #tpu.memory_space<vmem>> -> memref<6400xi32, #tpu.memory_space<vmem>>
      tpu.wait_dma2 semaphore(%run_scoped3A_52 : memref<!tpu.dma_semaphore, #tpu.memory_space<semaphore_mem>>) src(%dma_wait3A_68 : memref<6400xi32, #tpu.memory_space<vmem>>) dst(%dma_wait3A_65 : memref<6400xi32, #tpu.memory_space<hbm>>)
      tpu.yield
    }) : () -> ()
    %run_scoped3A_50 = arith.constant 2 : i32
    "tpu.region"() ({
      %run_scoped3A_52 = tpu.sem_alloc : memref<!tpu.dma_semaphore, #tpu.memory_space<semaphore_mem>>
      %dma_start3A_53 = arith.constant 0 : i32
      %dma_start3A_54 = tpu.memref_slice %arg12[%run_scoped3A_50, %dma_start3A_53] : memref<4x6400xi32, #tpu.memory_space<vmem>> -> memref<1x6400xi32, #tpu.memory_space<vmem>>
      %dma_start3A_55 = tpu.memref_squeeze %dma_start3A_54 : memref<1x6400xi32, #tpu.memory_space<vmem>> -> memref<6400xi32, #tpu.memory_space<vmem>>
      %dma_start3A_56 = tpu.memref_slice %arg9[%mul3A_2] : memref<204800xi32, #tpu.memory_space<hbm>> -> memref<6400xi32, #tpu.memory_space<hbm>>
      %dma_start3A_57 = tpu.memref_slice %arg9[%mul3A_2] : memref<204800xi32, #tpu.memory_space<hbm>> -> memref<6400xi32, #tpu.memory_space<hbm>>
      %dma_start3A_58 = arith.constant 0 : i32
      %dma_start3A_59 = tpu.memref_slice %arg12[%run_scoped3A_50, %dma_start3A_58] : memref<4x6400xi32, #tpu.memory_space<vmem>> -> memref<1x6400xi32, #tpu.memory_space<vmem>>
      %dma_start3A_60 = tpu.memref_squeeze %dma_start3A_59 : memref<1x6400xi32, #tpu.memory_space<vmem>> -> memref<6400xi32, #tpu.memory_space<vmem>>
      tpu.enqueue_dma source(%dma_start3A_60 : memref<6400xi32, #tpu.memory_space<vmem>>) target(%dma_start3A_57 : memref<6400xi32, #tpu.memory_space<hbm>>) target_semaphore(%run_scoped3A_52 : memref<!tpu.dma_semaphore, #tpu.memory_space<semaphore_mem>>)
      %dma_wait3A_61 = arith.constant 0 : i32
      %dma_wait3A_62 = tpu.memref_slice %arg12[%run_scoped3A_50, %dma_wait3A_61] : memref<4x6400xi32, #tpu.memory_space<vmem>> -> memref<1x6400xi32, #tpu.memory_space<vmem>>
      %dma_wait3A_63 = tpu.memref_squeeze %dma_wait3A_62 : memref<1x6400xi32, #tpu.memory_space<vmem>> -> memref<6400xi32, #tpu.memory_space<vmem>>
      %dma_wait3A_64 = tpu.memref_slice %arg9[%mul3A_2] : memref<204800xi32, #tpu.memory_space<hbm>> -> memref<6400xi32, #tpu.memory_space<hbm>>
      %dma_wait3A_65 = tpu.memref_slice %arg9[%mul3A_2] : memref<204800xi32, #tpu.memory_space<hbm>> -> memref<6400xi32, #tpu.memory_space<hbm>>
      %dma_wait3A_66 = arith.constant 0 : i32
      %dma_wait3A_67 = tpu.memref_slice %arg12[%run_scoped3A_50, %dma_wait3A_66] : memref<4x6400xi32, #tpu.memory_space<vmem>> -> memref<1x6400xi32, #tpu.memory_space<vmem>>
      %dma_wait3A_68 = tpu.memref_squeeze %dma_wait3A_67 : memref<1x6400xi32, #tpu.memory_space<vmem>> -> memref<6400xi32, #tpu.memory_space<vmem>>
      tpu.wait_dma2 semaphore(%run_scoped3A_52 : memref<!tpu.dma_semaphore, #tpu.memory_space<semaphore_mem>>) src(%dma_wait3A_68 : memref<6400xi32, #tpu.memory_space<vmem>>) dst(%dma_wait3A_65 : memref<6400xi32, #tpu.memory_space<hbm>>)
      tpu.yield
    }) : () -> ()
    %run_scoped3A_51 = arith.constant 3 : i32
    "tpu.region"() ({
      %run_scoped3A_52 = tpu.sem_alloc : memref<!tpu.dma_semaphore, #tpu.memory_space<semaphore_mem>>
      %dma_start3A_53 = arith.constant 0 : i32
      %dma_start3A_54 = tpu.memref_slice %arg12[%run_scoped3A_51, %dma_start3A_53] : memref<4x6400xi32, #tpu.memory_space<vmem>> -> memref<1x6400xi32, #tpu.memory_space<vmem>>
      %dma_start3A_55 = tpu.memref_squeeze %dma_start3A_54 : memref<1x6400xi32, #tpu.memory_space<vmem>> -> memref<6400xi32, #tpu.memory_space<vmem>>
      %dma_start3A_56 = tpu.memref_slice %arg10[%mul3A_2] : memref<204800xi32, #tpu.memory_space<hbm>> -> memref<6400xi32, #tpu.memory_space<hbm>>
      %dma_start3A_57 = tpu.memref_slice %arg10[%mul3A_2] : memref<204800xi32, #tpu.memory_space<hbm>> -> memref<6400xi32, #tpu.memory_space<hbm>>
      %dma_start3A_58 = arith.constant 0 : i32
      %dma_start3A_59 = tpu.memref_slice %arg12[%run_scoped3A_51, %dma_start3A_58] : memref<4x6400xi32, #tpu.memory_space<vmem>> -> memref<1x6400xi32, #tpu.memory_space<vmem>>
      %dma_start3A_60 = tpu.memref_squeeze %dma_start3A_59 : memref<1x6400xi32, #tpu.memory_space<vmem>> -> memref<6400xi32, #tpu.memory_space<vmem>>
      tpu.enqueue_dma source(%dma_start3A_60 : memref<6400xi32, #tpu.memory_space<vmem>>) target(%dma_start3A_57 : memref<6400xi32, #tpu.memory_space<hbm>>) target_semaphore(%run_scoped3A_52 : memref<!tpu.dma_semaphore, #tpu.memory_space<semaphore_mem>>)
      %dma_wait3A_61 = arith.constant 0 : i32
      %dma_wait3A_62 = tpu.memref_slice %arg12[%run_scoped3A_51, %dma_wait3A_61] : memref<4x6400xi32, #tpu.memory_space<vmem>> -> memref<1x6400xi32, #tpu.memory_space<vmem>>
      %dma_wait3A_63 = tpu.memref_squeeze %dma_wait3A_62 : memref<1x6400xi32, #tpu.memory_space<vmem>> -> memref<6400xi32, #tpu.memory_space<vmem>>
      %dma_wait3A_64 = tpu.memref_slice %arg10[%mul3A_2] : memref<204800xi32, #tpu.memory_space<hbm>> -> memref<6400xi32, #tpu.memory_space<hbm>>
      %dma_wait3A_65 = tpu.memref_slice %arg10[%mul3A_2] : memref<204800xi32, #tpu.memory_space<hbm>> -> memref<6400xi32, #tpu.memory_space<hbm>>
      %dma_wait3A_66 = arith.constant 0 : i32
      %dma_wait3A_67 = tpu.memref_slice %arg12[%run_scoped3A_51, %dma_wait3A_66] : memref<4x6400xi32, #tpu.memory_space<vmem>> -> memref<1x6400xi32, #tpu.memory_space<vmem>>
      %dma_wait3A_68 = tpu.memref_squeeze %dma_wait3A_67 : memref<1x6400xi32, #tpu.memory_space<vmem>> -> memref<6400xi32, #tpu.memory_space<vmem>>
      tpu.wait_dma2 semaphore(%run_scoped3A_52 : memref<!tpu.dma_semaphore, #tpu.memory_space<semaphore_mem>>) src(%dma_wait3A_68 : memref<6400xi32, #tpu.memory_space<vmem>>) dst(%dma_wait3A_65 : memref<6400xi32, #tpu.memory_space<hbm>>)
      tpu.yield
    }) : () -> ()
    return
  }
}

#map = affine_map<(d0, d1) -> (0)>
module attributes {stable_mosaic.version = 14 : i64} {
  func.func @k(%arg0: i32, %arg1: i32, %arg2: memref<204800xi32, #tpu.memory_space<hbm>>, %arg3: memref<1000000xi32, #tpu.memory_space<hbm>>, %arg4: memref<204800xi32, #tpu.memory_space<hbm>>, %arg5: memref<204800xi32, #tpu.memory_space<hbm>>, %arg6: memref<6400xi32, #tpu.memory_space<vmem>>, %arg7: memref<6400xi32, #tpu.memory_space<vmem>>, %arg8: memref<6400xi32, #tpu.memory_space<vmem>>, %arg9: memref<!tpu.dma_semaphore, #tpu.memory_space<semaphore_mem>>) attributes {dimension_semantics = [#tpu.dimension_semantics<core_parallel>, #tpu.dimension_semantics<subcore_parallel>], iteration_bounds = array<i64: 2, 16>, scalar_prefetch = 0 : i64, scratch_operands = 4 : i64, tpu.core_type = #tpu.core_type<sc_vector_subcore>, window_params = [{transform_indices = #map}, {transform_indices = #map}, {transform_indices = #map}, {transform_indices = #map}]} {
    %mul3A = arith.constant 2 : i32
    %mul3A_0 = arith.muli %arg1, %mul3A : i32
    %add3A = arith.addi %mul3A_0, %arg0 : i32
    %mul3A_1 = arith.constant 6400 : i32
    %mul3A_2 = arith.muli %add3A, %mul3A_1 : i32
    "tpu.region"() ({
      %run_scoped3A = tpu.sem_alloc : memref<!tpu.dma_semaphore, #tpu.memory_space<semaphore_mem>>
      %dma_start3A_10 = tpu.memref_slice %arg2[%mul3A_2] : memref<204800xi32, #tpu.memory_space<hbm>> -> memref<6400xi32, #tpu.memory_space<hbm>>
      %dma_start3A_11 = tpu.memref_slice %arg2[%mul3A_2] : memref<204800xi32, #tpu.memory_space<hbm>> -> memref<6400xi32, #tpu.memory_space<hbm>>
      tpu.enqueue_dma source(%dma_start3A_11 : memref<6400xi32, #tpu.memory_space<hbm>>) target(%arg6 : memref<6400xi32, #tpu.memory_space<vmem>>) target_semaphore(%run_scoped3A : memref<!tpu.dma_semaphore, #tpu.memory_space<semaphore_mem>>)
      %dma_wait3A_12 = tpu.memref_slice %arg2[%mul3A_2] : memref<204800xi32, #tpu.memory_space<hbm>> -> memref<6400xi32, #tpu.memory_space<hbm>>
      %dma_wait3A_13 = tpu.memref_slice %arg2[%mul3A_2] : memref<204800xi32, #tpu.memory_space<hbm>> -> memref<6400xi32, #tpu.memory_space<hbm>>
      tpu.wait_dma2 semaphore(%run_scoped3A : memref<!tpu.dma_semaphore, #tpu.memory_space<semaphore_mem>>) src(%dma_wait3A_13 : memref<6400xi32, #tpu.memory_space<hbm>>) dst(%arg6 : memref<6400xi32, #tpu.memory_space<vmem>>)
      tpu.yield
    }) : () -> ()
    %dma_start3A = arith.constant 0 : i32
    %dma_start3A_3 = tpu.memref_slice %arg3[%dma_start3A] : memref<1000000xi32, #tpu.memory_space<hbm>> -> memref<1000000xi32, #tpu.memory_space<hbm>>
    tpu.enqueue_indirect_dma source(%dma_start3A_3 : memref<1000000xi32, #tpu.memory_space<hbm>>) target(%arg7 : memref<6400xi32, #tpu.memory_space<vmem>>) offsets(%arg6 : memref<6400xi32, #tpu.memory_space<vmem>>) semaphore(%arg9 : memref<!tpu.dma_semaphore, #tpu.memory_space<semaphore_mem>>)
    %dma_wait3A = arith.constant 0 : i32
    %dma_wait3A_4 = tpu.memref_slice %arg3[%dma_wait3A] : memref<1000000xi32, #tpu.memory_space<hbm>> -> memref<1000000xi32, #tpu.memory_space<hbm>>
    tpu.wait_indirect_dma semaphore(%arg9 : memref<!tpu.dma_semaphore, #tpu.memory_space<semaphore_mem>>) src(%dma_wait3A_4 : memref<1000000xi32, #tpu.memory_space<hbm>>) dst(%arg7 : memref<6400xi32, #tpu.memory_space<vmem>>)
    %scan3A = arith.constant 0 : i32
    %scan3A_5 = arith.constant 0 : i32
    %scan3A_6 = arith.constant 400 : i32
    %scan3A_7 = arith.addi %scan3A_5, %scan3A_6 : i32
    %scan3A_8 = arith.constant 1 : i32
    scf.for %scan3A_10 = %scan3A_5 to %scan3A_7 step %scan3A_8  : i32 {
      %mul3A_11 = arith.constant 16 : i32
      %mul3A_12 = arith.muli %scan3A_10, %mul3A_11 : i32
      %get3A = arith.index_cast %mul3A_12 : i32 to index
      %get3A_13 = tpu.vector_load %arg7[%get3A] {strides = array<i32>} : memref<6400xi32, #tpu.memory_space<vmem>>, vector<16xi32>,
      %get3A_14 = vector.shape_cast %get3A_13 : vector<16xi32> to vector<16xi32>
      %sub3A = arith.constant 128 : i32
      %sub3A_15 = vector.broadcast %sub3A : i32 to vector<16xi32>
      %sub3A_16 = arith.subi %get3A_14, %sub3A_15 : vector<16xi32>
      %max3A = arith.constant 0 : i32
      %max3A_17 = vector.broadcast %max3A : i32 to vector<16xi32>
      %max3A_18 = arith.maxsi %sub3A_16, %max3A_17 : vector<16xi32>
      %mul3A_19 = arith.constant 16 : i32
      %mul3A_20 = arith.muli %scan3A_10, %mul3A_19 : i32
      %swap3A = arith.index_cast %mul3A_20 : i32 to index
      %swap3A_21 = tpu.vector_load %arg8[%swap3A] {strides = array<i32>} : memref<6400xi32, #tpu.memory_space<vmem>>, vector<16xi32>,
      %swap3A_22 = vector.shape_cast %swap3A_21 : vector<16xi32> to vector<16xi32>
      %swap3A_23 = vector.shape_cast %max3A_18 : vector<16xi32> to vector<16xi32>
      tpu.vector_store %arg8[%swap3A], %swap3A_23 {strides = array<i32>} : memref<6400xi32, #tpu.memory_space<vmem>>, vector<16xi32>,
    }
    %scan3A_9 = arith.constant 400 : i32
    "tpu.region"() ({
      %run_scoped3A = tpu.sem_alloc : memref<!tpu.dma_semaphore, #tpu.memory_space<semaphore_mem>>
      %dma_start3A_10 = tpu.memref_slice %arg4[%mul3A_2] : memref<204800xi32, #tpu.memory_space<hbm>> -> memref<6400xi32, #tpu.memory_space<hbm>>
      %dma_start3A_11 = tpu.memref_slice %arg4[%mul3A_2] : memref<204800xi32, #tpu.memory_space<hbm>> -> memref<6400xi32, #tpu.memory_space<hbm>>
      tpu.enqueue_dma source(%arg7 : memref<6400xi32, #tpu.memory_space<vmem>>) target(%dma_start3A_11 : memref<6400xi32, #tpu.memory_space<hbm>>) target_semaphore(%run_scoped3A : memref<!tpu.dma_semaphore, #tpu.memory_space<semaphore_mem>>)
      %dma_wait3A_12 = tpu.memref_slice %arg4[%mul3A_2] : memref<204800xi32, #tpu.memory_space<hbm>> -> memref<6400xi32, #tpu.memory_space<hbm>>
      %dma_wait3A_13 = tpu.memref_slice %arg4[%mul3A_2] : memref<204800xi32, #tpu.memory_space<hbm>> -> memref<6400xi32, #tpu.memory_space<hbm>>
      tpu.wait_dma2 semaphore(%run_scoped3A : memref<!tpu.dma_semaphore, #tpu.memory_space<semaphore_mem>>) src(%arg7 : memref<6400xi32, #tpu.memory_space<vmem>>) dst(%dma_wait3A_13 : memref<6400xi32, #tpu.memory_space<hbm>>)
      tpu.yield
    }) : () -> ()
    "tpu.region"() ({
      %run_scoped3A = tpu.sem_alloc : memref<!tpu.dma_semaphore, #tpu.memory_space<semaphore_mem>>
      %dma_start3A_10 = tpu.memref_slice %arg5[%mul3A_2] : memref<204800xi32, #tpu.memory_space<hbm>> -> memref<6400xi32, #tpu.memory_space<hbm>>
      %dma_start3A_11 = tpu.memref_slice %arg5[%mul3A_2] : memref<204800xi32, #tpu.memory_space<hbm>> -> memref<6400xi32, #tpu.memory_space<hbm>>
      tpu.enqueue_dma source(%arg8 : memref<6400xi32, #tpu.memory_space<vmem>>) target(%dma_start3A_11 : memref<6400xi32, #tpu.memory_space<hbm>>) target_semaphore(%run_scoped3A : memref<!tpu.dma_semaphore, #tpu.memory_space<semaphore_mem>>)
      %dma_wait3A_12 = tpu.memref_slice %arg5[%mul3A_2] : memref<204800xi32, #tpu.memory_space<hbm>> -> memref<6400xi32, #tpu.memory_space<hbm>>
      %dma_wait3A_13 = tpu.memref_slice %arg5[%mul3A_2] : memref<204800xi32, #tpu.memory_space<hbm>> -> memref<6400xi32, #tpu.memory_space<hbm>>
      tpu.wait_dma2 semaphore(%run_scoped3A : memref<!tpu.dma_semaphore, #tpu.memory_space<semaphore_mem>>) src(%arg8 : memref<6400xi32, #tpu.memory_space<vmem>>) dst(%dma_wait3A_13 : memref<6400xi32, #tpu.memory_space<hbm>>)
      tpu.yield
    }) : () -> ()
    return
  }
}

module attributes {stable_mosaic.version = 14 : i64} {
  func.func @_pack_body(%arg0: i32, %arg1: memref<8x131072xf32, #tpu.memory_space<vmem>>, %arg2: memref<131072xi32, #tpu.memory_space<vmem>>, %arg3: memref<131072xi32, #tpu.memory_space<vmem>>, %arg4: memref<131072xi32, #tpu.memory_space<vmem>>, %arg5: memref<131072xi32, #tpu.memory_space<vmem>>) attributes {dimension_semantics = [#tpu.dimension_semantics<arbitrary>], iteration_bounds = array<i64: 8>, scalar_prefetch = 0 : i64, scratch_operands = 0 : i64, tpu.core_type = #tpu.core_type<tc>, window_params = [{transform_indices = @transform_0, window_bounds = array<i64: 8, 131072>}, {transform_indices = @transform_1, window_bounds = array<i64: 131072>}, {transform_indices = @transform_2, window_bounds = array<i64: 131072>}, {transform_indices = @transform_3, window_bounds = array<i64: 131072>}, {transform_indices = @transform_4, window_bounds = array<i64: 131072>}]} {
    %get3A = arith.constant 0 : index
    %get3A_0 = arith.constant 0 : index
    %get3A_1 = vector.load %arg1[%get3A, %get3A_0] : memref<8x131072xf32, #tpu.memory_space<vmem>>, vector<1x131072xf32>
    %get3A_2 = vector.shape_cast %get3A_1 : vector<1x131072xf32> to vector<131072xf32>
    %bitcast_convert_type3A = tpu.bitcast %get3A_2 : vector<131072xf32> -> vector<131072xi32>
    %get3A_3 = arith.constant 1 : index
    %get3A_4 = arith.constant 0 : index
    %get3A_5 = vector.load %arg1[%get3A_3, %get3A_4] : memref<8x131072xf32, #tpu.memory_space<vmem>>, vector<1x131072xf32>
    %get3A_6 = vector.shape_cast %get3A_5 : vector<1x131072xf32> to vector<131072xf32>
    %bitcast_convert_type3A_7 = tpu.bitcast %get3A_6 : vector<131072xf32> -> vector<131072xi32>
    %add3A = arith.constant 32768 : i32
    %add3A_8 = vector.broadcast %add3A : i32 to vector<131072xi32>
    %add3A_9 = arith.addi %bitcast_convert_type3A, %add3A_8 : vector<131072xi32>
    %shift_right_logical3A = arith.constant 16 : i32
    %shift_right_logical3A_10 = vector.broadcast %shift_right_logical3A : i32 to vector<131072xi32>
    %shift_right_logical3A_11 = arith.shrui %add3A_9, %shift_right_logical3A_10 : vector<131072xi32>
    %add3A_12 = arith.constant 32768 : i32
    %add3A_13 = vector.broadcast %add3A_12 : i32 to vector<131072xi32>
    %add3A_14 = arith.addi %bitcast_convert_type3A_7, %add3A_13 : vector<131072xi32>
    %shift_right_logical3A_15 = arith.constant 16 : i32
    %shift_right_logical3A_16 = vector.broadcast %shift_right_logical3A_15 : i32 to vector<131072xi32>
    %shift_right_logical3A_17 = arith.shrui %add3A_14, %shift_right_logical3A_16 : vector<131072xi32>
    %shift_left3A = arith.constant 16 : i32
    %shift_left3A_18 = vector.broadcast %shift_left3A : i32 to vector<131072xi32>
    %shift_left3A_19 = arith.shli %shift_right_logical3A_17, %shift_left3A_18 : vector<131072xi32>
    %or3A = arith.ori %shift_left3A_19, %shift_right_logical3A_11 : vector<131072xi32>
    %swap3A = arith.constant 0 : index
    %swap3A_20 = vector.load %arg2[%swap3A] : memref<131072xi32, #tpu.memory_space<vmem>>, vector<131072xi32>
    tpu.vector_store %arg2[%swap3A], %or3A {strides = array<i32>} : memref<131072xi32, #tpu.memory_space<vmem>>, vector<131072xi32>,
    %get3A_21 = arith.constant 2 : index
    %get3A_22 = arith.constant 0 : index
    %get3A_23 = vector.load %arg1[%get3A_21, %get3A_22] : memref<8x131072xf32, #tpu.memory_space<vmem>>, vector<1x131072xf32>
    %get3A_24 = vector.shape_cast %get3A_23 : vector<1x131072xf32> to vector<131072xf32>
    %bitcast_convert_type3A_25 = tpu.bitcast %get3A_24 : vector<131072xf32> -> vector<131072xi32>
    %get3A_26 = arith.constant 3 : index
    %get3A_27 = arith.constant 0 : index
    %get3A_28 = vector.load %arg1[%get3A_26, %get3A_27] : memref<8x131072xf32, #tpu.memory_space<vmem>>, vector<1x131072xf32>
    %get3A_29 = vector.shape_cast %get3A_28 : vector<1x131072xf32> to vector<131072xf32>
    %bitcast_convert_type3A_30 = tpu.bitcast %get3A_29 : vector<131072xf32> -> vector<131072xi32>
    %add3A_31 = arith.constant 32768 : i32
    %add3A_32 = vector.broadcast %add3A_31 : i32 to vector<131072xi32>
    %add3A_33 = arith.addi %bitcast_convert_type3A_25, %add3A_32 : vector<131072xi32>
    %shift_right_logical3A_34 = arith.constant 16 : i32
    %shift_right_logical3A_35 = vector.broadcast %shift_right_logical3A_34 : i32 to vector<131072xi32>
    %shift_right_logical3A_36 = arith.shrui %add3A_33, %shift_right_logical3A_35 : vector<131072xi32>
    %add3A_37 = arith.constant 32768 : i32
    %add3A_38 = vector.broadcast %add3A_37 : i32 to vector<131072xi32>
    %add3A_39 = arith.addi %bitcast_convert_type3A_30, %add3A_38 : vector<131072xi32>
    %shift_right_logical3A_40 = arith.constant 16 : i32
    %shift_right_logical3A_41 = vector.broadcast %shift_right_logical3A_40 : i32 to vector<131072xi32>
    %shift_right_logical3A_42 = arith.shrui %add3A_39, %shift_right_logical3A_41 : vector<131072xi32>
    %shift_left3A_43 = arith.constant 16 : i32
    %shift_left3A_44 = vector.broadcast %shift_left3A_43 : i32 to vector<131072xi32>
    %shift_left3A_45 = arith.shli %shift_right_logical3A_42, %shift_left3A_44 : vector<131072xi32>
    %or3A_46 = arith.ori %shift_left3A_45, %shift_right_logical3A_36 : vector<131072xi32>
    %swap3A_47 = arith.constant 0 : index
    %swap3A_48 = vector.load %arg3[%swap3A_47] : memref<131072xi32, #tpu.memory_space<vmem>>, vector<131072xi32>
    tpu.vector_store %arg3[%swap3A_47], %or3A_46 {strides = array<i32>} : memref<131072xi32, #tpu.memory_space<vmem>>, vector<131072xi32>,
    %get3A_49 = arith.constant 4 : index
    %get3A_50 = arith.constant 0 : index
    %get3A_51 = vector.load %arg1[%get3A_49, %get3A_50] : memref<8x131072xf32, #tpu.memory_space<vmem>>, vector<1x131072xf32>
    %get3A_52 = vector.shape_cast %get3A_51 : vector<1x131072xf32> to vector<131072xf32>
    %bitcast_convert_type3A_53 = tpu.bitcast %get3A_52 : vector<131072xf32> -> vector<131072xi32>
    %get3A_54 = arith.constant 5 : index
    %get3A_55 = arith.constant 0 : index
    %get3A_56 = vector.load %arg1[%get3A_54, %get3A_55] : memref<8x131072xf32, #tpu.memory_space<vmem>>, vector<1x131072xf32>
    %get3A_57 = vector.shape_cast %get3A_56 : vector<1x131072xf32> to vector<131072xf32>
    %bitcast_convert_type3A_58 = tpu.bitcast %get3A_57 : vector<131072xf32> -> vector<131072xi32>
    %add3A_59 = arith.constant 32768 : i32
    %add3A_60 = vector.broadcast %add3A_59 : i32 to vector<131072xi32>
    %add3A_61 = arith.addi %bitcast_convert_type3A_53, %add3A_60 : vector<131072xi32>
    %shift_right_logical3A_62 = arith.constant 16 : i32
    %shift_right_logical3A_63 = vector.broadcast %shift_right_logical3A_62 : i32 to vector<131072xi32>
    %shift_right_logical3A_64 = arith.shrui %add3A_61, %shift_right_logical3A_63 : vector<131072xi32>
    %add3A_65 = arith.constant 32768 : i32
    %add3A_66 = vector.broadcast %add3A_65 : i32 to vector<131072xi32>
    %add3A_67 = arith.addi %bitcast_convert_type3A_58, %add3A_66 : vector<131072xi32>
    %shift_right_logical3A_68 = arith.constant 16 : i32
    %shift_right_logical3A_69 = vector.broadcast %shift_right_logical3A_68 : i32 to vector<131072xi32>
    %shift_right_logical3A_70 = arith.shrui %add3A_67, %shift_right_logical3A_69 : vector<131072xi32>
    %shift_left3A_71 = arith.constant 16 : i32
    %shift_left3A_72 = vector.broadcast %shift_left3A_71 : i32 to vector<131072xi32>
    %shift_left3A_73 = arith.shli %shift_right_logical3A_70, %shift_left3A_72 : vector<131072xi32>
    %or3A_74 = arith.ori %shift_left3A_73, %shift_right_logical3A_64 : vector<131072xi32>
    %swap3A_75 = arith.constant 0 : index
    %swap3A_76 = vector.load %arg4[%swap3A_75] : memref<131072xi32, #tpu.memory_space<vmem>>, vector<131072xi32>
    tpu.vector_store %arg4[%swap3A_75], %or3A_74 {strides = array<i32>} : memref<131072xi32, #tpu.memory_space<vmem>>, vector<131072xi32>,
    %get3A_77 = arith.constant 6 : index
    %get3A_78 = arith.constant 0 : index
    %get3A_79 = vector.load %arg1[%get3A_77, %get3A_78] : memref<8x131072xf32, #tpu.memory_space<vmem>>, vector<1x131072xf32>
    %get3A_80 = vector.shape_cast %get3A_79 : vector<1x131072xf32> to vector<131072xf32>
    %bitcast_convert_type3A_81 = tpu.bitcast %get3A_80 : vector<131072xf32> -> vector<131072xi32>
    %get3A_82 = arith.constant 7 : index
    %get3A_83 = arith.constant 0 : index
    %get3A_84 = vector.load %arg1[%get3A_82, %get3A_83] : memref<8x131072xf32, #tpu.memory_space<vmem>>, vector<1x131072xf32>
    %get3A_85 = vector.shape_cast %get3A_84 : vector<1x131072xf32> to vector<131072xf32>
    %bitcast_convert_type3A_86 = tpu.bitcast %get3A_85 : vector<131072xf32> -> vector<131072xi32>
    %add3A_87 = arith.constant 32768 : i32
    %add3A_88 = vector.broadcast %add3A_87 : i32 to vector<131072xi32>
    %add3A_89 = arith.addi %bitcast_convert_type3A_81, %add3A_88 : vector<131072xi32>
    %shift_right_logical3A_90 = arith.constant 16 : i32
    %shift_right_logical3A_91 = vector.broadcast %shift_right_logical3A_90 : i32 to vector<131072xi32>
    %shift_right_logical3A_92 = arith.shrui %add3A_89, %shift_right_logical3A_91 : vector<131072xi32>
    %add3A_93 = arith.constant 32768 : i32
    %add3A_94 = vector.broadcast %add3A_93 : i32 to vector<131072xi32>
    %add3A_95 = arith.addi %bitcast_convert_type3A_86, %add3A_94 : vector<131072xi32>
    %shift_right_logical3A_96 = arith.constant 16 : i32
    %shift_right_logical3A_97 = vector.broadcast %shift_right_logical3A_96 : i32 to vector<131072xi32>
    %shift_right_logical3A_98 = arith.shrui %add3A_95, %shift_right_logical3A_97 : vector<131072xi32>
    %shift_left3A_99 = arith.constant 16 : i32
    %shift_left3A_100 = vector.broadcast %shift_left3A_99 : i32 to vector<131072xi32>
    %shift_left3A_101 = arith.shli %shift_right_logical3A_98, %shift_left3A_100 : vector<131072xi32>
    %or3A_102 = arith.ori %shift_left3A_101, %shift_right_logical3A_92 : vector<131072xi32>
    %swap3A_103 = arith.constant 0 : index
    %swap3A_104 = vector.load %arg5[%swap3A_103] : memref<131072xi32, #tpu.memory_space<vmem>>, vector<131072xi32>
    tpu.vector_store %arg5[%swap3A_103], %or3A_102 {strides = array<i32>} : memref<131072xi32, #tpu.memory_space<vmem>>, vector<131072xi32>,
    return
  }
  func.func @transform_0(%arg0: i32) -> (i32, i32) {
    %c1_i32 = arith.constant 1 : i32
    %c0_i32 = arith.constant 0 : i32
    return %c1_i32, %arg0 : i32, i32
  }
  func.func @transform_1(%arg0: i32) -> i32 {
    %c0_i32 = arith.constant 0 : i32
    return %arg0 : i32
  }
  func.func @transform_2(%arg0: i32) -> i32 {
    %c0_i32 = arith.constant 0 : i32
    return %arg0 : i32
  }
  func.func @transform_3(%arg0: i32) -> i32 {
    %c0_i32 = arith.constant 0 : i32
    return %arg0 : i32
  }
  func.func @transform_4(%arg0: i32) -> i32 {
    %c0_i32 = arith.constant 0 : i32
    return %arg0 : i32
  }
}

module attributes {stable_mosaic.version = 14 : i64} {
  func.func @_pack_body(%arg0: i32, %arg1: memref<8x131072xf32, #tpu.memory_space<vmem>>, %arg2: memref<131072xi32, #tpu.memory_space<vmem>>, %arg3: memref<131072xi32, #tpu.memory_space<vmem>>, %arg4: memref<131072xi32, #tpu.memory_space<vmem>>, %arg5: memref<131072xi32, #tpu.memory_space<vmem>>) attributes {dimension_semantics = [#tpu.dimension_semantics<arbitrary>], iteration_bounds = array<i64: 8>, scalar_prefetch = 0 : i64, scratch_operands = 0 : i64, tpu.core_type = #tpu.core_type<tc>, window_params = [{transform_indices = @transform_0, window_bounds = array<i64: 8, 131072>}, {transform_indices = @transform_1, window_bounds = array<i64: 131072>}, {transform_indices = @transform_2, window_bounds = array<i64: 131072>}, {transform_indices = @transform_3, window_bounds = array<i64: 131072>}, {transform_indices = @transform_4, window_bounds = array<i64: 131072>}]} {
    %get3A = arith.constant 0 : index
    %get3A_0 = arith.constant 0 : index
    %get3A_1 = vector.load %arg1[%get3A, %get3A_0] : memref<8x131072xf32, #tpu.memory_space<vmem>>, vector<1x131072xf32>
    %get3A_2 = vector.shape_cast %get3A_1 : vector<1x131072xf32> to vector<131072xf32>
    %bitcast_convert_type3A = tpu.bitcast %get3A_2 : vector<131072xf32> -> vector<131072xi32>
    %get3A_3 = arith.constant 1 : index
    %get3A_4 = arith.constant 0 : index
    %get3A_5 = vector.load %arg1[%get3A_3, %get3A_4] : memref<8x131072xf32, #tpu.memory_space<vmem>>, vector<1x131072xf32>
    %get3A_6 = vector.shape_cast %get3A_5 : vector<1x131072xf32> to vector<131072xf32>
    %bitcast_convert_type3A_7 = tpu.bitcast %get3A_6 : vector<131072xf32> -> vector<131072xi32>
    %add3A = arith.constant 32768 : i32
    %add3A_8 = vector.broadcast %add3A : i32 to vector<131072xi32>
    %add3A_9 = arith.addi %bitcast_convert_type3A, %add3A_8 : vector<131072xi32>
    %shift_right_logical3A = arith.constant 16 : i32
    %shift_right_logical3A_10 = vector.broadcast %shift_right_logical3A : i32 to vector<131072xi32>
    %shift_right_logical3A_11 = arith.shrui %add3A_9, %shift_right_logical3A_10 : vector<131072xi32>
    %add3A_12 = arith.constant 32768 : i32
    %add3A_13 = vector.broadcast %add3A_12 : i32 to vector<131072xi32>
    %add3A_14 = arith.addi %bitcast_convert_type3A_7, %add3A_13 : vector<131072xi32>
    %shift_right_logical3A_15 = arith.constant 16 : i32
    %shift_right_logical3A_16 = vector.broadcast %shift_right_logical3A_15 : i32 to vector<131072xi32>
    %shift_right_logical3A_17 = arith.shrui %add3A_14, %shift_right_logical3A_16 : vector<131072xi32>
    %shift_left3A = arith.constant 16 : i32
    %shift_left3A_18 = vector.broadcast %shift_left3A : i32 to vector<131072xi32>
    %shift_left3A_19 = arith.shli %shift_right_logical3A_17, %shift_left3A_18 : vector<131072xi32>
    %or3A = arith.ori %shift_left3A_19, %shift_right_logical3A_11 : vector<131072xi32>
    %swap3A = arith.constant 0 : index
    %swap3A_20 = vector.load %arg2[%swap3A] : memref<131072xi32, #tpu.memory_space<vmem>>, vector<131072xi32>
    tpu.vector_store %arg2[%swap3A], %or3A {strides = array<i32>} : memref<131072xi32, #tpu.memory_space<vmem>>, vector<131072xi32>,
    %get3A_21 = arith.constant 2 : index
    %get3A_22 = arith.constant 0 : index
    %get3A_23 = vector.load %arg1[%get3A_21, %get3A_22] : memref<8x131072xf32, #tpu.memory_space<vmem>>, vector<1x131072xf32>
    %get3A_24 = vector.shape_cast %get3A_23 : vector<1x131072xf32> to vector<131072xf32>
    %bitcast_convert_type3A_25 = tpu.bitcast %get3A_24 : vector<131072xf32> -> vector<131072xi32>
    %get3A_26 = arith.constant 3 : index
    %get3A_27 = arith.constant 0 : index
    %get3A_28 = vector.load %arg1[%get3A_26, %get3A_27] : memref<8x131072xf32, #tpu.memory_space<vmem>>, vector<1x131072xf32>
    %get3A_29 = vector.shape_cast %get3A_28 : vector<1x131072xf32> to vector<131072xf32>
    %bitcast_convert_type3A_30 = tpu.bitcast %get3A_29 : vector<131072xf32> -> vector<131072xi32>
    %add3A_31 = arith.constant 32768 : i32
    %add3A_32 = vector.broadcast %add3A_31 : i32 to vector<131072xi32>
    %add3A_33 = arith.addi %bitcast_convert_type3A_25, %add3A_32 : vector<131072xi32>
    %shift_right_logical3A_34 = arith.constant 16 : i32
    %shift_right_logical3A_35 = vector.broadcast %shift_right_logical3A_34 : i32 to vector<131072xi32>
    %shift_right_logical3A_36 = arith.shrui %add3A_33, %shift_right_logical3A_35 : vector<131072xi32>
    %add3A_37 = arith.constant 32768 : i32
    %add3A_38 = vector.broadcast %add3A_37 : i32 to vector<131072xi32>
    %add3A_39 = arith.addi %bitcast_convert_type3A_30, %add3A_38 : vector<131072xi32>
    %shift_right_logical3A_40 = arith.constant 16 : i32
    %shift_right_logical3A_41 = vector.broadcast %shift_right_logical3A_40 : i32 to vector<131072xi32>
    %shift_right_logical3A_42 = arith.shrui %add3A_39, %shift_right_logical3A_41 : vector<131072xi32>
    %shift_left3A_43 = arith.constant 16 : i32
    %shift_left3A_44 = vector.broadcast %shift_left3A_43 : i32 to vector<131072xi32>
    %shift_left3A_45 = arith.shli %shift_right_logical3A_42, %shift_left3A_44 : vector<131072xi32>
    %or3A_46 = arith.ori %shift_left3A_45, %shift_right_logical3A_36 : vector<131072xi32>
    %swap3A_47 = arith.constant 0 : index
    %swap3A_48 = vector.load %arg3[%swap3A_47] : memref<131072xi32, #tpu.memory_space<vmem>>, vector<131072xi32>
    tpu.vector_store %arg3[%swap3A_47], %or3A_46 {strides = array<i32>} : memref<131072xi32, #tpu.memory_space<vmem>>, vector<131072xi32>,
    %get3A_49 = arith.constant 4 : index
    %get3A_50 = arith.constant 0 : index
    %get3A_51 = vector.load %arg1[%get3A_49, %get3A_50] : memref<8x131072xf32, #tpu.memory_space<vmem>>, vector<1x131072xf32>
    %get3A_52 = vector.shape_cast %get3A_51 : vector<1x131072xf32> to vector<131072xf32>
    %bitcast_convert_type3A_53 = tpu.bitcast %get3A_52 : vector<131072xf32> -> vector<131072xi32>
    %get3A_54 = arith.constant 5 : index
    %get3A_55 = arith.constant 0 : index
    %get3A_56 = vector.load %arg1[%get3A_54, %get3A_55] : memref<8x131072xf32, #tpu.memory_space<vmem>>, vector<1x131072xf32>
    %get3A_57 = vector.shape_cast %get3A_56 : vector<1x131072xf32> to vector<131072xf32>
    %bitcast_convert_type3A_58 = tpu.bitcast %get3A_57 : vector<131072xf32> -> vector<131072xi32>
    %add3A_59 = arith.constant 32768 : i32
    %add3A_60 = vector.broadcast %add3A_59 : i32 to vector<131072xi32>
    %add3A_61 = arith.addi %bitcast_convert_type3A_53, %add3A_60 : vector<131072xi32>
    %shift_right_logical3A_62 = arith.constant 16 : i32
    %shift_right_logical3A_63 = vector.broadcast %shift_right_logical3A_62 : i32 to vector<131072xi32>
    %shift_right_logical3A_64 = arith.shrui %add3A_61, %shift_right_logical3A_63 : vector<131072xi32>
    %add3A_65 = arith.constant 32768 : i32
    %add3A_66 = vector.broadcast %add3A_65 : i32 to vector<131072xi32>
    %add3A_67 = arith.addi %bitcast_convert_type3A_58, %add3A_66 : vector<131072xi32>
    %shift_right_logical3A_68 = arith.constant 16 : i32
    %shift_right_logical3A_69 = vector.broadcast %shift_right_logical3A_68 : i32 to vector<131072xi32>
    %shift_right_logical3A_70 = arith.shrui %add3A_67, %shift_right_logical3A_69 : vector<131072xi32>
    %shift_left3A_71 = arith.constant 16 : i32
    %shift_left3A_72 = vector.broadcast %shift_left3A_71 : i32 to vector<131072xi32>
    %shift_left3A_73 = arith.shli %shift_right_logical3A_70, %shift_left3A_72 : vector<131072xi32>
    %or3A_74 = arith.ori %shift_left3A_73, %shift_right_logical3A_64 : vector<131072xi32>
    %swap3A_75 = arith.constant 0 : index
    %swap3A_76 = vector.load %arg4[%swap3A_75] : memref<131072xi32, #tpu.memory_space<vmem>>, vector<131072xi32>
    tpu.vector_store %arg4[%swap3A_75], %or3A_74 {strides = array<i32>} : memref<131072xi32, #tpu.memory_space<vmem>>, vector<131072xi32>,
    %get3A_77 = arith.constant 6 : index
    %get3A_78 = arith.constant 0 : index
    %get3A_79 = vector.load %arg1[%get3A_77, %get3A_78] : memref<8x131072xf32, #tpu.memory_space<vmem>>, vector<1x131072xf32>
    %get3A_80 = vector.shape_cast %get3A_79 : vector<1x131072xf32> to vector<131072xf32>
    %bitcast_convert_type3A_81 = tpu.bitcast %get3A_80 : vector<131072xf32> -> vector<131072xi32>
    %get3A_82 = arith.constant 7 : index
    %get3A_83 = arith.constant 0 : index
    %get3A_84 = vector.load %arg1[%get3A_82, %get3A_83] : memref<8x131072xf32, #tpu.memory_space<vmem>>, vector<1x131072xf32>
    %get3A_85 = vector.shape_cast %get3A_84 : vector<1x131072xf32> to vector<131072xf32>
    %bitcast_convert_type3A_86 = tpu.bitcast %get3A_85 : vector<131072xf32> -> vector<131072xi32>
    %add3A_87 = arith.constant 32768 : i32
    %add3A_88 = vector.broadcast %add3A_87 : i32 to vector<131072xi32>
    %add3A_89 = arith.addi %bitcast_convert_type3A_81, %add3A_88 : vector<131072xi32>
    %shift_right_logical3A_90 = arith.constant 16 : i32
    %shift_right_logical3A_91 = vector.broadcast %shift_right_logical3A_90 : i32 to vector<131072xi32>
    %shift_right_logical3A_92 = arith.shrui %add3A_89, %shift_right_logical3A_91 : vector<131072xi32>
    %add3A_93 = arith.constant 32768 : i32
    %add3A_94 = vector.broadcast %add3A_93 : i32 to vector<131072xi32>
    %add3A_95 = arith.addi %bitcast_convert_type3A_86, %add3A_94 : vector<131072xi32>
    %shift_right_logical3A_96 = arith.constant 16 : i32
    %shift_right_logical3A_97 = vector.broadcast %shift_right_logical3A_96 : i32 to vector<131072xi32>
    %shift_right_logical3A_98 = arith.shrui %add3A_95, %shift_right_logical3A_97 : vector<131072xi32>
    %shift_left3A_99 = arith.constant 16 : i32
    %shift_left3A_100 = vector.broadcast %shift_left3A_99 : i32 to vector<131072xi32>
    %shift_left3A_101 = arith.shli %shift_right_logical3A_98, %shift_left3A_100 : vector<131072xi32>
    %or3A_102 = arith.ori %shift_left3A_101, %shift_right_logical3A_92 : vector<131072xi32>
    %swap3A_103 = arith.constant 0 : index
    %swap3A_104 = vector.load %arg5[%swap3A_103] : memref<131072xi32, #tpu.memory_space<vmem>>, vector<131072xi32>
    tpu.vector_store %arg5[%swap3A_103], %or3A_102 {strides = array<i32>} : memref<131072xi32, #tpu.memory_space<vmem>>, vector<131072xi32>,
    return
  }
  func.func @transform_0(%arg0: i32) -> (i32, i32) {
    %c0_i32 = arith.constant 0 : i32
    %c0_i32_0 = arith.constant 0 : i32
    return %c0_i32, %arg0 : i32, i32
  }
  func.func @transform_1(%arg0: i32) -> i32 {
    %c0_i32 = arith.constant 0 : i32
    return %arg0 : i32
  }
  func.func @transform_2(%arg0: i32) -> i32 {
    %c0_i32 = arith.constant 0 : i32
    return %arg0 : i32
  }
  func.func @transform_3(%arg0: i32) -> i32 {
    %c0_i32 = arith.constant 0 : i32
    return %arg0 : i32
  }
  func.func @transform_4(%arg0: i32) -> i32 {
    %c0_i32 = arith.constant 0 : i32
    return %arg0 : i32
  }
}

module attributes {stable_mosaic.version = 14 : i64} {
  func.func @_tc_body(%arg0: i32, %arg1: i32, %arg2: memref<1x1x4096xi32, #tpu.memory_space<vmem>>, %arg3: memref<4096xi32, #tpu.memory_space<vmem>>, %arg4: memref<4096xi32, #tpu.memory_space<vmem>>, %arg5: memref<4096xi32, #tpu.memory_space<vmem>>, %arg6: memref<4096xi32, #tpu.memory_space<vmem>>, %arg7: memref<4096xi32, #tpu.memory_space<vmem>>, %arg8: memref<4096xi32, #tpu.memory_space<vmem>>, %arg9: memref<4096xi32, #tpu.memory_space<vmem>>, %arg10: memref<4096xi32, #tpu.memory_space<vmem>>, %arg11: memref<128x64xf32, #tpu.memory_space<vmem>>, %arg12: memref<64x64xf32, #tpu.memory_space<vmem>>, %arg13: memref<16x64xf32, #tpu.memory_space<vmem>>, %arg14: memref<1x64x4096xf32, #tpu.memory_space<vmem>>) attributes {dimension_semantics = [#tpu.dimension_semantics<arbitrary>, #tpu.dimension_semantics<arbitrary>], iteration_bounds = array<i64: 50, 1>, scalar_prefetch = 0 : i64, scratch_operands = 0 : i64, tpu.core_type = #tpu.core_type<tc>, window_params = [{transform_indices = @transform_0, window_bounds = array<i64: 1, 1, 4096>}, {transform_indices = @transform_1, window_bounds = array<i64: 4096>}, {transform_indices = @transform_2, window_bounds = array<i64: 4096>}, {transform_indices = @transform_3, window_bounds = array<i64: 4096>}, {transform_indices = @transform_4, window_bounds = array<i64: 4096>}, {transform_indices = @transform_5, window_bounds = array<i64: 4096>}, {transform_indices = @transform_6, window_bounds = array<i64: 4096>}, {transform_indices = @transform_7, window_bounds = array<i64: 4096>}, {transform_indices = @transform_8, window_bounds = array<i64: 4096>}, {pipeline_mode = #tpu.pipeline_mode<synchronous>, transform_indices = @transform_9, window_bounds = array<i64: 128, 64>}, {pipeline_mode = #tpu.pipeline_mode<synchronous>, transform_indices = @transform_10, window_bounds = array<i64: 64, 64>}, {pipeline_mode = #tpu.pipeline_mode<synchronous>, transform_indices = @transform_11, window_bounds = array<i64: 16, 64>}, {transform_indices = @transform_12, window_bounds = array<i64: 1, 64, 4096>}]} {
    %get3A = arith.constant 0 : index
    %get3A_0 = arith.constant 0 : index
    %get3A_1 = arith.constant 0 : index
    %get3A_2 = vector.load %arg2[%get3A, %get3A_0, %get3A_1] : memref<1x1x4096xi32, #tpu.memory_space<vmem>>, vector<1x1x4096xi32>
    %get3A_3 = vector.shape_cast %get3A_2 : vector<1x1x4096xi32> to vector<4096xi32>
    %get3A_4 = arith.constant 0 : index
    %get3A_5 = vector.load %arg3[%get3A_4] : memref<4096xi32, #tpu.memory_space<vmem>>, vector<4096xi32>
    %get3A_6 = arith.constant 0 : index
    %get3A_7 = vector.load %arg4[%get3A_6] : memref<4096xi32, #tpu.memory_space<vmem>>, vector<4096xi32>
    %get3A_8 = arith.constant 0 : index
    %get3A_9 = vector.load %arg5[%get3A_8] : memref<4096xi32, #tpu.memory_space<vmem>>, vector<4096xi32>
    %get3A_10 = arith.constant 0 : index
    %get3A_11 = vector.load %arg6[%get3A_10] : memref<4096xi32, #tpu.memory_space<vmem>>, vector<4096xi32>
    %stack3A = vector.shape_cast %get3A_5 : vector<4096xi32> to vector<1x4096xi32>
    %stack3A_12 = vector.shape_cast %get3A_7 : vector<4096xi32> to vector<1x4096xi32>
    %stack3A_13 = vector.shape_cast %get3A_9 : vector<4096xi32> to vector<1x4096xi32>
    %stack3A_14 = vector.shape_cast %get3A_11 : vector<4096xi32> to vector<1x4096xi32>
    %stack3A_15 = tpu.concatenate %stack3A, %stack3A_12, %stack3A_13, %stack3A_14 in 0 : vector<1x4096xi32>, vector<1x4096xi32>, vector<1x4096xi32>, vector<1x4096xi32> -> vector<4x4096xi32>
    %get3A_16 = arith.constant 0 : index
    %get3A_17 = vector.load %arg7[%get3A_16] : memref<4096xi32, #tpu.memory_space<vmem>>, vector<4096xi32>
    %get3A_18 = arith.constant 0 : index
    %get3A_19 = vector.load %arg8[%get3A_18] : memref<4096xi32, #tpu.memory_space<vmem>>, vector<4096xi32>
    %get3A_20 = arith.constant 0 : index
    %get3A_21 = vector.load %arg9[%get3A_20] : memref<4096xi32, #tpu.memory_space<vmem>>, vector<4096xi32>
    %get3A_22 = arith.constant 0 : index
    %get3A_23 = vector.load %arg10[%get3A_22] : memref<4096xi32, #tpu.memory_space<vmem>>, vector<4096xi32>
    %stack3A_24 = vector.shape_cast %get3A_17 : vector<4096xi32> to vector<1x4096xi32>
    %stack3A_25 = vector.shape_cast %get3A_19 : vector<4096xi32> to vector<1x4096xi32>
    %stack3A_26 = vector.shape_cast %get3A_21 : vector<4096xi32> to vector<1x4096xi32>
    %stack3A_27 = vector.shape_cast %get3A_23 : vector<4096xi32> to vector<1x4096xi32>
    %stack3A_28 = tpu.concatenate %stack3A_24, %stack3A_25, %stack3A_26, %stack3A_27 in 0 : vector<1x4096xi32>, vector<1x4096xi32>, vector<1x4096xi32>, vector<1x4096xi32> -> vector<4x4096xi32>
    %shift_left3A = arith.constant 16 : i32
    %shift_left3A_29 = vector.broadcast %shift_left3A : i32 to vector<4x4096xi32>
    %shift_left3A_30 = arith.shli %stack3A_15, %shift_left3A_29 : vector<4x4096xi32>
    %bitcast_convert_type3A = tpu.bitcast %shift_left3A_30 : vector<4x4096xi32> -> vector<4x4096xf32>
    %and3A = arith.constant -65536 : i32
    %and3A_31 = vector.broadcast %and3A : i32 to vector<4x4096xi32>
    %and3A_32 = arith.andi %stack3A_15, %and3A_31 : vector<4x4096xi32>
    %bitcast_convert_type3A_33 = tpu.bitcast %and3A_32 : vector<4x4096xi32> -> vector<4x4096xf32>
    %shift_left3A_34 = arith.constant 16 : i32
    %shift_left3A_35 = vector.broadcast %shift_left3A_34 : i32 to vector<4x4096xi32>
    %shift_left3A_36 = arith.shli %stack3A_28, %shift_left3A_35 : vector<4x4096xi32>
    %bitcast_convert_type3A_37 = tpu.bitcast %shift_left3A_36 : vector<4x4096xi32> -> vector<4x4096xf32>
    %and3A_38 = arith.constant -65536 : i32
    %and3A_39 = vector.broadcast %and3A_38 : i32 to vector<4x4096xi32>
    %and3A_40 = arith.andi %stack3A_28, %and3A_39 : vector<4x4096xi32>
    %bitcast_convert_type3A_41 = tpu.bitcast %and3A_40 : vector<4x4096xi32> -> vector<4x4096xf32>
    %concatenate3A = tpu.concatenate %bitcast_convert_type3A, %bitcast_convert_type3A_33, %bitcast_convert_type3A_37, %bitcast_convert_type3A_41 in 0 : vector<4x4096xf32>, vector<4x4096xf32>, vector<4x4096xf32>, vector<4x4096xf32> -> vector<16x4096xf32>
    %get3A_42 = arith.constant 0 : index
    %get3A_43 = arith.constant 0 : index
    %get3A_44 = vector.load %arg13[%get3A_42, %get3A_43] : memref<16x64xf32, #tpu.memory_space<vmem>>, vector<16x64xf32>
    %dot_general3A = arith.constant dense<0.000000e+00> : vector<64x4096xf32>
    %dot_general3A_45 = tpu.matmul %get3A_44, %concatenate3A, %dot_general3A {dimension_numbers = #tpu.dot_dimension_numbers<[0], [0], [1], [1], [0, 1, 1, 1], [], []>, transpose_lhs_hint = false} : vector<16x64xf32>, vector<16x4096xf32>, vector<64x4096xf32> -> vector<64x4096xf32>
    %swap3A = arith.constant 0 : index
    %swap3A_46 = arith.constant 0 : index
    %swap3A_47 = arith.constant 0 : index
    %swap3A_48 = vector.load %arg14[%swap3A, %swap3A_46, %swap3A_47] : memref<1x64x4096xf32, #tpu.memory_space<vmem>>, vector<1x64x4096xf32>
    %swap3A_49 = vector.shape_cast %swap3A_48 : vector<1x64x4096xf32> to vector<64x4096xf32>
    %swap3A_50 = vector.shape_cast %dot_general3A_45 : vector<64x4096xf32> to vector<1x64x4096xf32>
    tpu.vector_store %arg14[%swap3A, %swap3A_46, %swap3A_47], %swap3A_50 {strides = array<i32>} : memref<1x64x4096xf32, #tpu.memory_space<vmem>>, vector<1x64x4096xf32>,
    %reduce_min3A = vector.shape_cast %get3A_3 : vector<4096xi32> to vector<1x4096xi32>
    %reduce_min3A_51 = arith.constant dense<2147483647> : vector<1xi32>
    %reduce_min3A_52 = vector.multi_reduction <minsi>, %reduce_min3A, %reduce_min3A_51 [1] : vector<1x4096xi32> to vector<1xi32>
    %reduce_min3A_53 = vector.shape_cast %reduce_min3A_52 : vector<1xi32> to vector<1x1xi32>
    %reduce_min3A_54 = vector.extract %reduce_min3A_53[0, 0] : i32 from vector<1x1xi32>
    %lt3A = arith.constant 128 : i32
    %lt3A_55 = arith.cmpi slt, %reduce_min3A_54, %lt3A : i32
    %convert_element_type3A = arith.extui %lt3A_55 : i1 to i32
    %cond3A = arith.constant 0 : i32
    %cond3A_56 = arith.cmpi ne, %convert_element_type3A, %cond3A : i32
    scf.if %cond3A_56 {
      %get3A_57 = arith.constant 0 : index
      %get3A_58 = arith.constant 0 : index
      %get3A_59 = vector.load %arg11[%get3A_57, %get3A_58] : memref<128x64xf32, #tpu.memory_space<vmem>>, vector<128x64xf32>
      %get3A_60 = arith.constant 0 : index
      %get3A_61 = arith.constant 0 : index
      %get3A_62 = vector.load %arg12[%get3A_60, %get3A_61] : memref<64x64xf32, #tpu.memory_space<vmem>>, vector<64x64xf32>
      %dot_general3A_63 = arith.constant dense<0.000000e+00> : vector<128x64xf32>
      %dot_general3A_64 = tpu.matmul %get3A_59, %get3A_62, %dot_general3A_63 {dimension_numbers = #tpu.dot_dimension_numbers<[1], [0], [0], [1], [0, 0, 1, 1], [], []>, transpose_lhs_hint = false} : vector<128x64xf32>, vector<64x64xf32>, vector<128x64xf32> -> vector<128x64xf32>
      %iota3A = tpu.iota {dimensions = array<i32: 0>} : vector<128x1xi32>
      %broadcast_in_dim3A = vector.shape_cast %get3A_3 : vector<4096xi32> to vector<1x4096xi32>
      %eq3A = vector.broadcast %iota3A : vector<128x1xi32> to vector<128x4096xi32>
      %eq3A_65 = vector.broadcast %broadcast_in_dim3A : vector<1x4096xi32> to vector<128x4096xi32>
      %eq3A_66 = arith.cmpi eq, %eq3A, %eq3A_65 : vector<128x4096xi32>
      %convert_element_type3A_67 = arith.extui %eq3A_66 : vector<128x4096xi1> to vector<128x4096xi32>
      %convert_element_type3A_68 = arith.sitofp %convert_element_type3A_67 : vector<128x4096xi32> to vector<128x4096xf32>
      %dot_general3A_69 = arith.constant dense<0.000000e+00> : vector<64x4096xf32>
      %dot_general3A_70 = tpu.matmul %dot_general3A_64, %convert_element_type3A_68, %dot_general3A_69 {dimension_numbers = #tpu.dot_dimension_numbers<[0], [0], [1], [1], [0, 1, 1, 1], [], []>, transpose_lhs_hint = false} : vector<128x64xf32>, vector<128x4096xf32>, vector<64x4096xf32> -> vector<64x4096xf32>
      %broadcast_in_dim3A_71 = vector.shape_cast %get3A_3 : vector<4096xi32> to vector<1x4096xi32>
      %lt3A_72 = arith.constant 128 : i32
      %lt3A_73 = vector.broadcast %lt3A_72 : i32 to vector<1x4096xi32>
      %lt3A_74 = arith.cmpi slt, %broadcast_in_dim3A_71, %lt3A_73 : vector<1x4096xi32>
      %broadcast_in_dim3A_75 = vector.shape_cast %lt3A_74 : vector<1x4096xi1> to vector<1x4096xi1>
      %broadcast_in_dim3A_76 = vector.broadcast %broadcast_in_dim3A_75 : vector<1x4096xi1> to vector<64x4096xi1>
      %select_n3A = arith.select %broadcast_in_dim3A_76, %dot_general3A_70, %dot_general3A_45 : vector<64x4096xi1>, vector<64x4096xf32>
      %swap3A_77 = arith.constant 0 : index
      %swap3A_78 = arith.constant 0 : index
      %swap3A_79 = arith.constant 0 : index
      %swap3A_80 = vector.load %arg14[%swap3A_77, %swap3A_78, %swap3A_79] : memref<1x64x4096xf32, #tpu.memory_space<vmem>>, vector<1x64x4096xf32>
      %swap3A_81 = vector.shape_cast %swap3A_80 : vector<1x64x4096xf32> to vector<64x4096xf32>
      %swap3A_82 = vector.shape_cast %select_n3A : vector<64x4096xf32> to vector<1x64x4096xf32>
      tpu.vector_store %arg14[%swap3A_77, %swap3A_78, %swap3A_79], %swap3A_82 {strides = array<i32>} : memref<1x64x4096xf32, #tpu.memory_space<vmem>>, vector<1x64x4096xf32>,
    } else {
    }
    return
  }
  func.func @transform_0(%arg0: i32, %arg1: i32) -> (i32, i32, i32) {
    %c0_i32 = arith.constant 0 : i32
    %c0_i32_0 = arith.constant 0 : i32
    return %arg0, %c0_i32, %arg1 : i32, i32, i32
  }
  func.func @transform_1(%arg0: i32, %arg1: i32) -> i32 {
    %mul3A = arith.constant 1 : i32
    %mul3A_0 = arith.muli %arg0, %mul3A : i32
    %add3A = arith.addi %mul3A_0, %arg1 : i32
    %c0_i32 = arith.constant 0 : i32
    return %add3A : i32
  }
  func.func @transform_2(%arg0: i32, %arg1: i32) -> i32 {
    %mul3A = arith.constant 1 : i32
    %mul3A_0 = arith.muli %arg0, %mul3A : i32
    %add3A = arith.addi %mul3A_0, %arg1 : i32
    %c0_i32 = arith.constant 0 : i32
    return %add3A : i32
  }
  func.func @transform_3(%arg0: i32, %arg1: i32) -> i32 {
    %mul3A = arith.constant 1 : i32
    %mul3A_0 = arith.muli %arg0, %mul3A : i32
    %add3A = arith.addi %mul3A_0, %arg1 : i32
    %c0_i32 = arith.constant 0 : i32
    return %add3A : i32
  }
  func.func @transform_4(%arg0: i32, %arg1: i32) -> i32 {
    %mul3A = arith.constant 1 : i32
    %mul3A_0 = arith.muli %arg0, %mul3A : i32
    %add3A = arith.addi %mul3A_0, %arg1 : i32
    %c0_i32 = arith.constant 0 : i32
    return %add3A : i32
  }
  func.func @transform_5(%arg0: i32, %arg1: i32) -> i32 {
    %mul3A = arith.constant 1 : i32
    %mul3A_0 = arith.muli %arg0, %mul3A : i32
    %add3A = arith.addi %mul3A_0, %arg1 : i32
    %c0_i32 = arith.constant 0 : i32
    return %add3A : i32
  }
  func.func @transform_6(%arg0: i32, %arg1: i32) -> i32 {
    %mul3A = arith.constant 1 : i32
    %mul3A_0 = arith.muli %arg0, %mul3A : i32
    %add3A = arith.addi %mul3A_0, %arg1 : i32
    %c0_i32 = arith.constant 0 : i32
    return %add3A : i32
  }
  func.func @transform_7(%arg0: i32, %arg1: i32) -> i32 {
    %mul3A = arith.constant 1 : i32
    %mul3A_0 = arith.muli %arg0, %mul3A : i32
    %add3A = arith.addi %mul3A_0, %arg1 : i32
    %c0_i32 = arith.constant 0 : i32
    return %add3A : i32
  }
  func.func @transform_8(%arg0: i32, %arg1: i32) -> i32 {
    %mul3A = arith.constant 1 : i32
    %mul3A_0 = arith.muli %arg0, %mul3A : i32
    %add3A = arith.addi %mul3A_0, %arg1 : i32
    %c0_i32 = arith.constant 0 : i32
    return %add3A : i32
  }
  func.func @transform_9(%arg0: i32, %arg1: i32) -> (i32, i32) {
    %c0_i32 = arith.constant 0 : i32
    %c0_i32_0 = arith.constant 0 : i32
    %c0_i32_1 = arith.constant 0 : i32
    return %c0_i32, %c0_i32_0 : i32, i32
  }
  func.func @transform_10(%arg0: i32, %arg1: i32) -> (i32, i32) {
    %c0_i32 = arith.constant 0 : i32
    %c0_i32_0 = arith.constant 0 : i32
    %c0_i32_1 = arith.constant 0 : i32
    return %c0_i32, %c0_i32_0 : i32, i32
  }
  func.func @transform_11(%arg0: i32, %arg1: i32) -> (i32, i32) {
    %c0_i32 = arith.constant 0 : i32
    %c0_i32_0 = arith.constant 0 : i32
    %c0_i32_1 = arith.constant 0 : i32
    return %c0_i32, %c0_i32_0 : i32, i32
  }
  func.func @transform_12(%arg0: i32, %arg1: i32) -> (i32, i32, i32) {
    %c0_i32 = arith.constant 0 : i32
    %c0_i32_0 = arith.constant 0 : i32
    return %arg0, %c0_i32, %arg1 : i32, i32, i32
  }
}

</mosaic_0001>

<sc_bundles>
// kernel: kernel.11.cloned.1.call-start
scs
__scs_entry_jumppad:
0x0: {  	(pc) =	sbr.rel $0x88, $3  }
0x1: {  	(tag) =	ssettag $0x0;
	lr =	simm.s32 $0x1  }
0x2: {  	[smem:$0x3F9B] =	sst lr;
	_ =	strace $0xD0000000  }
0x3: {  	_ = 	snop  }
0x4: {  	_ = 	snop  }
0x5: {  	_ = 	snop  }
0x6: {  	_ = 	snop  }
0x7: {  	_ = 	snop  }
__scs_overlays_trampoline_lowered:
0x8: {  	[smem:$0x3FAA] =	sst s0  }
0x9: {  	[smem:$0x3FAB] =	sst s1  }
0xa: {  	[smem:$0x3FAC] =	sst s2  }
0xb: {  	[smem:$0x3FAD] =	sst s3  }
0xc: {  	[smem:$0x3FAE] =	sst s4  }
0xd: {  	[smem:$0x3FAF] =	sst s5  }
0xe: {  	[smem:$0x3FB0] =	sst s6  }
0xf: {  	[smem:$0x3FB1] =	sst s7  }
0x10: {  	[smem:$0x3FB2] =	sst s8  }
0x11: {  	[smem:$0x3FB3] =	sst s9;
	s0 =	simm.s32 @!p0 $0x0  }
0x12: {  	s1 =	sld [smem:$0x3F99];
	s0 =	simm.s32 @p0 $0x1  }
0x13: {  	[smem:$0x3FB4] =	sst s0;
	s0 =	simm.s32 @!p1 $0x0  }
0x14: {  	s2 =	sld [smem:$0x3F98];
	s0 =	simm.s32 @p1 $0x1  }
0x15: {  	[smem:$0x3FB5] =	sst s0;
	s0 =	simm.s32 @!p2 $0x0  }
0x16: {  	s3 =	sld [smem:$0x3FDB];
	s0 =	simm.s32 @p2 $0x1  }
0x17: {  	s4 =	simm.s32 $0x1BF5;
	[smem:$0x3FB7] =	sst s0  }
0x18: {  	s0 =	sld [smem:$0x3F9A];
	_ =	swait.ge [sflag:s4], $0x0  }
0x19: {  	s7 =	sld [smem:$0x3F9B]  }
0x1a: {  	s8 =	sadd.s32 $0xFFFFE003, lr  }
0x1b: {  	s9 =	sadd.s32 $0xFFFFFEF7, lr;
	s5 =	simm.s32 $0xFFFFFFFF;
	p2 =	slt.u32 s8, $0xFFFFF086  }
0x1c: {  	p1 =	slt.u32 s9, $0xF7A;
	s5 =	simm.s32 @!p2 $0x0  }
0x1d: {  	s5 =	simm.s32 @p1 $0x1;
	p0 =	seq.s32 s7, s2  }
0x1e: {  	s7 =	smul.u32 @!p0 $0xF7A, s2;
	p2 =	seq.s32 @!p0 s5, $0x0  }
0x1f: {  	s9 =	smul.u32 $0xF7A, s1;
	s8 =	simm.s32 @!p0 $0x1BF5;
	p2 =	por !p2, p0  }
0x20: {  	[sflag:s8] =	ssyncset.s32 @!p0 $0xFFFFF086;
	s6 =	sadd.s32 @!p0 s3, s7;
	s7 =	simm.s32 @!p0 $0x108  }
0x21: {  	s3 =	sadd.s32 s3, s9;
	s6 =	sadd.s32 @!p0 $0x88, s6;
	s7 =	simm.s32 @p2 $0x1082  }
0x22: {  	[simem:s7], [sflag:s8] =	dma.local @!p0 [hbm:s6], $0xF7A  }
0x23: {  	s9 =	sor.u32 $0xD0000000, s2;
	s6 =	simm.s32 $0x108;
	_ =	swait.ge @!p0 [sflag:s8], $0x0  }
0x24: {  	s3 =	sadd.s32 $0x88, s3;
	s6 =	simm.s32 @!p1 $0x1082;
	[sflag:s4] =	ssyncset.s32 $0xFFFFF086  }
0x25: {  	[simem:s6], [sflag:s4] =	dma.local [hbm:s3], $0xF7A  }
0x26: {  	[smem:$0x3F9B] =	sst s1;
	(tag) =	ssettag s2;
	_ =	strace s9  }
0x27: {  	s1 =	sld [smem:$0x3FAB]  }
0x28: {  	s2 =	sld [smem:$0x3FAC]  }
0x29: {  	s4 =	sld [smem:$0x3FAE]  }
0x2a: {  	p0 =	seq.s32 s5, $0x0;
	s5 =	sld [smem:$0x3FAF]  }
0x2b: {  	s6 =	sld [smem:$0x3FB0]  }
0x2c: {  	s7 =	sld [smem:$0x3FB1]  }
0x2d: {  	s3 =	simm.s32 $0x108;
	s8 =	sld [smem:$0x3FB2]  }
0x2e: {  	s3 =	simm.s32 @!p0 $0x1082;
	s9 =	sld [smem:$0x3FB3]  }
0x2f: {  	lr =	sadd.s32 s0, s3;
	s0 =	sld [smem:$0x3FAA]  }
0x30: {  	s3 =	sld [smem:$0x3FAD]  }
0x31: {  	[smem:$0x3FB6] =	sst s10  }
0x32: {  	s10 =	sld [smem:$0x3FB4];
	_ =	sdelay $0x3  }
0x33: {  	p0 =	seq.s32 s10, $0x1;
	s10 =	sld [smem:$0x3FB6];
	_ =	sdelay $0x3  }
0x34: {  	[smem:$0x3FB6] =	sst s10  }
0x35: {  	s10 =	sld [smem:$0x3FB5];
	_ =	sdelay $0x3  }
0x36: {  	p1 =	seq.s32 s10, $0x1;
	s10 =	sld [smem:$0x3FB6];
	_ =	sdelay $0x3  }
0x37: {  	[smem:$0x3FB6] =	sst s10  }
0x38: {  	s10 =	sld [smem:$0x3FB7]  }
0x39: {  	_ = 	snop;
	(pc) =	sbr.ind lr, $3  }
0x3a: {  	_ = 	snop  }
0x3b: {  	_ = 	snop  }
0x3c: {  	p2 =	seq.s32 s10, $0x1;
	s10 =	sld [smem:$0x3FB6]  }
0x3d: {  	_ =	shalt  }
0x3e: {  	_ =	shalt  }
0x3f: {  	_ =	shalt  }
0x40: {  	_ =	shalt  }
0x41: {  	_ =	shalt  }
0x42: {  	_ =	shalt  }
0x43: {  	_ =	shalt  }
0x44: {  	_ =	shalt  }
0x45: {  	_ =	shalt  }
0x46: {  	_ =	shalt  }
0x47: {  	_ =	shalt  }
0x48: {  	_ =	shalt  }
0x49: {  	_ =	shalt  }
0x4a: {  	_ =	shalt  }
0x4b: {  	_ =	shalt  }
0x4c: {  	_ =	shalt  }
0x4d: {  	_ =	shalt  }
0x4e: {  	_ =	shalt  }
0x4f: {  	_ =	shalt  }
0x50: {  	_ =	shalt  }
0x51: {  	_ =	shalt  }
0x52: {  	_ =	shalt  }
0x53: {  	_ =	shalt  }
0x54: {  	_ =	shalt  }
0x55: {  	_ =	shalt  }
0x56: {  	_ =	shalt  }
0x57: {  	_ =	shalt  }
0x58: {  	_ =	shalt  }
0x59: {  	_ =	shalt  }
0x5a: {  	_ =	shalt  }
0x5b: {  	_ =	shalt  }
0x5c: {  	_ =	shalt  }
0x5d: {  	_ =	shalt  }
0x5e: {  	_ =	shalt  }
0x5f: {  	_ =	shalt  }
0x60: {  	_ =	shalt  }
0x61: {  	_ =	shalt  }
0x62: {  	_ =	shalt  }
0x63: {  	_ =	shalt  }
0x64: {  	_ =	shalt  }
0x65: {  	_ =	shalt  }
0x66: {  	_ =	shalt  }
0x67: {  	_ =	shalt  }
0x68: {  	_ =	shalt  }
0x69: {  	_ =	shalt  }
0x6a: {  	_ =	shalt  }
0x6b: {  	_ =	shalt  }
0x6c: {  	_ =	shalt  }
0x6d: {  	_ =	shalt  }
0x6e: {  	_ =	shalt  }
0x6f: {  	_ =	shalt  }
0x70: {  	_ =	shalt  }
0x71: {  	_ =	shalt  }
0x72: {  	_ =	shalt  }
0x73: {  	_ =	shalt  }
0x74: {  	_ =	shalt  }
0x75: {  	_ =	shalt  }
0x76: {  	_ =	shalt  }
0x77: {  	_ =	shalt  }
0x78: {  	_ =	shalt  }
0x79: {  	_ =	shalt  }
0x7a: {  	_ =	shalt  }
0x7b: {  	_ =	shalt  }
0x7c: {  	_ =	shalt  }
0x7d: {  	_ =	shalt  }
0x7e: {  	_ =	shalt  }
0x7f: {  	_ =	shalt  }
0x80: {  	_ =	shalt  }
0x81: {  	_ =	shalt  }
0x82: {  	_ =	shalt  }
0x83: {  	_ =	shalt  }
0x84: {  	_ =	shalt  }
0x85: {  	_ =	shalt  }
0x86: {  	_ =	shalt  }
0x87: {  	_ =	shalt  }
.Lfunc_end0:
.L_simem_size_0:
called_computation.1_lowered:
.L_overlay_start_0:
0x88: {  	s2 =	sld [smem:$0x3FD9]  }
0x89: {  	s3 =	sld [smem:$0x3FFE];
	_ =	sdelay $0x1  }
0x8a: {  	s1 =	srdreg.scid  }
0x8b: {  	s0 =	sand.u32 $0x1, s1  }
0x8c: {  	s17 =	sshll.u32 s0, $0xA;
	s2 =	sadd.s32 s3, s2  }
0x8d: {  	s2 =	sadd.s32 s2, s17  }
0x8e: {  	[smem:$0x3FC2] =	sst s2  }
0x8f: {  	_ = 	snop  }
0x90: {  	s18 =	sld [smem:$0x3FD0];
	(tm) =	ssettm $0x1  }
0x91: {  	s19 =	sld [smem:$0x3FFB];
	_ =	sdelay $0x3  }
0x92: {  	_ =	strace s19  }
0x93: {  	s2 =	sld [smem:$0x3FFC];
	_ =	sdelay $0x3  }
0x94: {  	_ =	strace s2  }
0x95: {  	s2 =	sld [smem:$0x3FFD];
	_ =	sdelay $0x3  }
0x96: {  	_ =	strace s2  }
0x97: {  	_ =	strace $0x8FFFFFFF  }
0x98: {  	s20 =	sld [smem:$0x3FDB];
	_ =	sdelay $0x1  }
0x99: {  	s4 =	simm.s32 $_scs_section_size  }
0x9a: {  	s5 =	simm.s32 $_size__tile_overlayer_lowered;
	s6 =	simm.s32 $_tile_overlayer_lowered  }
0x9b: {  	s7 =	simm.s32 $0x1BFF;
	s21 =	sshll.u32 s6, $0x1;
	s4 =	sadd.s32 s4, s20  }
0x9c: {  	s22 =	simm.s32 $0x0;
	s5 =	sshll.u32 s5, $0x1;
	s6 =	sadd.s32 s21, s4  }
0x9d: {  	[timem:s22], [sflag:s7] =	dma.local [hbm:s6], s5  }
0x9e: {  	_ =	swait.ge [sflag:s7], s5  }
0x9f: {  	s5 =	ssub.s32 $0x0, s5;
	[sflag:s7] =	ssyncset.done $0x0  }
0xa0: {  	[sflag:s7] =	ssyncadd.s32 s5;
	_ =	sdelay $0x1  }
0xa1: {  	s23 =	simm.s32 $0x1B8B  }
0xa2: {  	_ =	swait.ge [sflag:s23], $0x1  }
0xa3: {  	[sflag:s23] =	ssyncset.done $0x0  }
0xa4: {  	[sflag:s23] =	ssyncadd.s32 $0xFFFFFFFF  }
0xa5: {  	s5 =	sld [smem:$0x0]  }
0xa6: {  	s6 =	sand.u32 $0xFFFFFFFE, s1  }
0xa7: {  	p0 =	sne.s32 s1, s6  }
0xa8: {  	s6 =	sshll.u32 @p0 s6, $0xE  }
0xa9: {  	s6 =	sadd.s32 @p0 $0x11B8D, s6;
	s7 =	sshll.u32 @p0 s5, $0x11  }
0xaa: {  	s6 =	sor.u32 @p0 s7, s6  }
0xab: {  	[sflag:s6] =	ssyncadd.remote.s32 @p0 $0x1;
	_ =	sdelay $0x1  }
0xac: {  	s6 =	simm.s32 @p0 $0x1B8D  }
0xad: {  	_ =	swait.eq @p0 [sflag:s6], $0x1  }
0xae: {  	[sflag:s6] =	ssyncadd.s32 @p0 $0xFFFFFFFF  }
0xaf: {  	s7 =	sshll.u32 @!p0 s1, $0xE  }
0xb0: {  	s7 =	sor.u32 @!p0 $0x4000, s7;
	s6 =	simm.s32 @!p0 $0x1B8D  }
0xb1: {  	s5 =	sshll.u32 @!p0 s5, $0x11;
	s7 =	sadd.s32 @!p0 $0x11B8D, s7;
	_ =	swait.eq @!p0 [sflag:s6], $0x1  }
0xb2: {  	s5 =	sor.u32 @!p0 s5, s7;
	[sflag:s6] =	ssyncadd.s32 @!p0 $0xFFFFFFFF  }
0xb3: {  	s25 =	simm.s32 $0x1B8E;
	s24 =	sld [smem:$0x3FFE];
	[sflag:s5] =	ssyncadd.remote.s32 @!p0 $0x1  }
0xb4: {  	s26 =	simm.s32 $execute0_lowered;
	[smem:$0x3FD2] =	sst s25  }
0xb5: {  	s6 =	sshll.u32 s26, $0x1;
	_ =	strace $0x8000004C;
	[dreg:$0x1] =	wrdreg $0xFFFFFFFF  }
0xb6: {  	s28 =	simm.s32 $_size_execute0_lowered;
	s4 =	sadd.s32 s4, s6;
	[dreg:$0x0] =	wrdreg $0x0  }
0xb7: {  	s6 =	sshll.u32 s28, $0x1;
	[dreg:$0x2] =	wrdreg s4  }
0xb8: {  	[dreg:$0x3] =	wrdreg s6  }
0xb9: {  	[dreg:$0x4] =	wrdreg $0xC0  }
0xba: {  	_ =	task [dreg:s22], $0x5FFFF  }
0xbb: {  	[dreg:$0x1] =	wrdreg $0xFFFFFFFF  }
0xbc: {  	[dreg:$0x0] =	wrdreg $0x60  }
0xbd: {  	[dreg:$0x2] =	wrdreg s24  }
0xbe: {  	[dreg:$0x3] =	wrdreg s18  }
0xbf: {  	[dreg:$0x4] =	wrdreg $0x9  }
0xc0: {  	_ =	task.clear_ibuf [dreg:s22], $0x5FFFF;
	_ =	strace $0x9000004C  }
0xc1: {  	s29 =	simm.s32 $0x9;
	_ =	strace $0x8000004E  }
0xc2: {  	_ =	swait.ge [sflag:s29], $0x1  }
0xc3: {  	[sflag:s29] =	ssyncadd.s32 $0xFFFFFFFF  }
0xc4: {  	_ =	strace $0x9000004E  }
0xc5: {  	_ =	sfence  }
0xc6: {  	s30 =	sld [smem:$0x0];
	_ =	sdelay $0x2  }
0xc7: {  	s31 =	sshll.u32 s1, $0xD;
	s1 =	sshrl.u32 s1, $0x2  }
0xc8: {  	s4 =	sand.u32 $0x4000, s31;
	s1 =	sadd.s32 s1, s30  }
0xc9: {  	s0 =	sor.u32 s4, s0;
	s1 =	sshll.u32 s1, $0x11  }
0xca: {  	s0 =	sor.u32 s1, s0  }
0xcb: {  	s0 =	sadd.s32 $0x8F2B, s0  }
0xcc: {  	[sflag:s0] =	ssyncadd.remote.s32 $0x1  }
0xcd: {  	_ =	sfence.sel $0xFFFF  }
0xce: {  	[dreg:$0x0] =	wrdreg $0xFFFFFFFF;
	(pc) =	sbr.abs _section_cstart, $3  }
0xcf: {  	[dreg:$0x1] =	wrdreg $0xFFFFFFFF  }
0xd0: {  	_ =	task.clear_ibuf [dreg:s22], $0x2FFFF;
	_ =	strace $0x9FFFFFFF  }
0xd1: {  	(tm) =	ssettm $0x7FFFFFFF  }
tec
execute0_lowered:
.L_overlay_start_1:
0x0: {  	(tag) =	ssettag $0x1  }
0x1: {  	s1 =	srdreg.scid;
	s0 =	stileid.u32  }
0x2: {  	s16 =	sand.u32 $0x1, s1;
	s31 =	sshll.u32 s0, $0x1  }
0x3: {  	s11 =	rddreg [dreg:$0x0];
	s1 =	sor.u32 s16, s31  }
0x4: {  	s2 =	rddreg [dreg:$0x1];
	s3 =	simm.s32 $0x0;
	s4 =	smul.u32 $0x320, s1  }
0x5: {  	[smem:$0x7FF] =	sst s3  }
0x6: {  	s1 =	rddreg [dreg:$0x2];
	s17 =	sadd.s32 s4, s11  }
0x7: {  	_ =	strace $0x8000004D;
	s4 =	simm.s32 $0x2;
	s5 =	sadd.s32 $0x4600, s17  }
0x8: {  	[tilespmem:s3], [sflag:$0x2] =	stream.linear.gather [hbm4b:s5+s3], $0x1900, $0x38;
	[tilespmem:$0x7D00] =	vst v63  }
0x9: {  	_ =	swait.ge [sflag:s4], $0x1900  }
0xa: {  	[sflag:s4] =	ssyncset.done $0x0  }
0xb: {  	s6 =	simm.s32 $0x1900;
	[sflag:s4] =	ssyncadd.s32 $0xFFFFE700  }
0xc: {  	[tilespmem:s6], [sflag:$0x1] =	stream.indirect.gather [hbm4b:s2+s6], $0x1, s3, s6, $0xb8;
	[tilespmem:$0x7D00] =	vst v63  }
0xd: {  	s8 =	simm.s32 $0x3200;
	s7 =	sadd.s32 $0xA9E00, s11  }
0xe: {  	[tilespmem:s8], [sflag:$0x1] =	stream.indirect.gather [hbm4b:s7+s6], $0x1, s3, s6, $0xb8;
	[tilespmem:$0x7D00] =	vst v63  }
0xf: {  	s10 =	simm.s32 $0x4B00;
	s9 =	sadd.s32 $0xC9E00, s11  }
0x10: {  	[tilespmem:s10], [sflag:$0x1] =	stream.indirect.gather [hbm4b:s9+s6], $0x1, s3, s6, $0xb8;
	[tilespmem:$0x7D00] =	vst v63  }
0x11: {  	s12 =	simm.s32 $0x6400;
	s13 =	simm.s32 $0x1;
	s11 =	sadd.s32 $0xE9E00, s11  }
0x12: {  	[tilespmem:s12], [sflag:$0x1] =	stream.indirect.gather [hbm4b:s11+s6], $0x1, s3, s6, $0xb8;
	[tilespmem:$0x7D00] =	vst v63  }
0x13: {  	_ =	swait.ge [sflag:s13], $0x1900  }
0x14: {  	[sflag:s13] =	ssyncset.done $0x0  }
0x15: {  	[sflag:s13] =	ssyncadd.s32 $0xFFFFE700  }
0x16: {  	_ =	swait.ge [sflag:s13], $0x1900  }
0x17: {  	[sflag:s13] =	ssyncset.done $0x0  }
0x18: {  	[sflag:s13] =	ssyncadd.s32 $0xFFFFE700  }
0x19: {  	_ =	swait.ge [sflag:s13], $0x1900  }
0x1a: {  	[sflag:s13] =	ssyncset.done $0x0  }
0x1b: {  	[sflag:s13] =	ssyncadd.s32 $0xFFFFE700  }
0x1c: {  	_ =	swait.ge [sflag:s13], $0x1900  }
0x1d: {  	[sflag:s13] =	ssyncset.done $0x0  }
0x1e: {  	s14 =	sadd.s32 $0x109E00, s17;
	[sflag:s13] =	ssyncadd.s32 $0xFFFFE700  }
0x1f: {  	[hbm4b:s14+s3] =	stream.linear.scatter [tilespmem:s6], [sflag:$0x2], $0x1900, $0x38;
	[tilespmem:$0x7D00] =	vst v63  }
0x20: {  	_ =	swait.ge [sflag:s4], $0x1900  }
0x21: {  	[sflag:s4] =	ssyncset.done $0x0  }
0x22: {  	s18 =	ssub.s32 $0x2, s16;
	s15 =	sadd.s32 $0x110200, s17;
	[sflag:s4] =	ssyncadd.s32 $0xFFFFE700  }
0x23: {  	[hbm4b:s15+s3] =	stream.linear.scatter [tilespmem:s8], [sflag:$0x2], $0x1900, $0x38;
	[tilespmem:$0x7D00] =	vst v63  }
0x24: {  	s19 =	sshrl.u32 s18, $0x1;
	_ =	swait.ge [sflag:s4], $0x1900  }
0x25: {  	s18 =	ssub.s32 s18, s19;
	[sflag:s4] =	ssyncset.done $0x0  }
0x26: {  	s18 =	smax.u32 s18, $0x1;
	s16 =	sadd.s32 $0x116600, s17;
	[sflag:s4] =	ssyncadd.s32 $0xFFFFE700  }
0x27: {  	[hbm4b:s16+s3] =	stream.linear.scatter [tilespmem:s10], [sflag:$0x2], $0x1900, $0x38;
	[tilespmem:$0x7D00] =	vst v63  }
0x28: {  	p0 =	sne.s32 s18, $0x1;
	_ =	swait.ge [sflag:s4], $0x1900  }
.Ltmp0:
0x29: {  	[sflag:s4] =	ssyncset.done $0x0;
	(pc) =	sbr.rel @!p0 .LBB2_2-.Ltmp0, $4  }
0x2a: {  	s17 =	sadd.s32 $0x11CA00, s17;
	[sflag:s4] =	ssyncadd.s32 $0xFFFFE700  }
0x2b: {  	[hbm4b:s17+s3] =	stream.linear.scatter [tilespmem:s12], [sflag:$0x2], $0x1900, $0x38;
	[tilespmem:$0x7D00] =	vst v63  }
0x2c: {  	_ =	swait.ge [sflag:s4], $0x1900  }
0x2d: {  	s18 =	sadd.s32 $0xFFFFFFFF, s18;
	[sflag:s4] =	ssyncset.done $0x0  }
.LBB2_1:
0x2e: {  	p0 =	sne.s32 s18, $0x1;
	s18 =	sadd.s32 $0xFFFFFFFF, s18;
	[sflag:s4] =	ssyncadd.s32 $0xFFFFE700  }
0x2f: {  	[tilespmem:s3], [sflag:$0x2] =	stream.linear.gather [hbm4b:s5+s3], $0x1900, $0x38;
	[tilespmem:$0x7D00] =	vst v63  }
0x30: {  	_ =	swait.ge [sflag:s4], $0x1900  }
0x31: {  	[sflag:s4] =	ssyncset.done $0x0  }
0x32: {  	[sflag:s4] =	ssyncadd.s32 $0xFFFFE700  }
0x33: {  	[tilespmem:s6], [sflag:$0x1] =	stream.indirect.gather [hbm4b:s2+s6], $0x1, s3, s6, $0xb8;
	[tilespmem:$0x7D00] =	vst v63  }
0x34: {  	_ = 	snop  }
0x35: {  	[tilespmem:s8], [sflag:$0x1] =	stream.indirect.gather [hbm4b:s7+s6], $0x1, s3, s6, $0xb8;
	[tilespmem:$0x7D00] =	vst v63  }
0x36: {  	_ = 	snop  }
0x37: {  	[tilespmem:s10], [sflag:$0x1] =	stream.indirect.gather [hbm4b:s9+s6], $0x1, s3, s6, $0xb8;
	[tilespmem:$0x7D00] =	vst v63  }
0x38: {  	_ = 	snop  }
0x39: {  	[tilespmem:s12], [sflag:$0x1] =	stream.indirect.gather [hbm4b:s11+s6], $0x1, s3, s6, $0xb8;
	[tilespmem:$0x7D00] =	vst v63  }
0x3a: {  	_ =	swait.ge [sflag:s13], $0x1900  }
0x3b: {  	[sflag:s13] =	ssyncset.done $0x0  }
0x3c: {  	[sflag:s13] =	ssyncadd.s32 $0xFFFFE700  }
0x3d: {  	_ =	swait.ge [sflag:s13], $0x1900  }
0x3e: {  	[sflag:s13] =	ssyncset.done $0x0  }
0x3f: {  	[sflag:s13] =	ssyncadd.s32 $0xFFFFE700  }
0x40: {  	_ =	swait.ge [sflag:s13], $0x1900  }
0x41: {  	[sflag:s13] =	ssyncset.done $0x0  }
0x42: {  	[sflag:s13] =	ssyncadd.s32 $0xFFFFE700  }
0x43: {  	_ =	swait.ge [sflag:s13], $0x1900  }
0x44: {  	[sflag:s13] =	ssyncset.done $0x0  }
0x45: {  	[sflag:s13] =	ssyncadd.s32 $0xFFFFE700  }
0x46: {  	[hbm4b:s14+s3] =	stream.linear.scatter [tilespmem:s6], [sflag:$0x2], $0x1900, $0x38;
	[tilespmem:$0x7D00] =	vst v63  }
0x47: {  	_ =	swait.ge [sflag:s4], $0x1900  }
0x48: {  	[sflag:s4] =	ssyncset.done $0x0  }
0x49: {  	[sflag:s4] =	ssyncadd.s32 $0xFFFFE700  }
0x4a: {  	[hbm4b:s15+s3] =	stream.linear.scatter [tilespmem:s8], [sflag:$0x2], $0x1900, $0x38;
	[tilespmem:$0x7D00] =	vst v63  }
0x4b: {  	_ =	swait.ge [sflag:s4], $0x1900  }
0x4c: {  	[sflag:s4] =	ssyncset.done $0x0  }
0x4d: {  	[sflag:s4] =	ssyncadd.s32 $0xFFFFE700  }
0x4e: {  	[hbm4b:s16+s3] =	stream.linear.scatter [tilespmem:s10], [sflag:$0x2], $0x1900, $0x38;
	[tilespmem:$0x7D00] =	vst v63  }
0x4f: {  	_ =	swait.ge [sflag:s4], $0x1900  }
.Ltmp1:
0x50: {  	[sflag:s4] =	ssyncset.done $0x0;
	(pc) =	sbr.rel @p0 .LBB2_1-.Ltmp1, $4  }
0x51: {  	[sflag:s4] =	ssyncadd.s32 $0xFFFFE700  }
0x52: {  	[hbm4b:s17+s3] =	stream.linear.scatter [tilespmem:s12], [sflag:$0x2], $0x1900, $0x38;
	[tilespmem:$0x7D00] =	vst v63  }
0x53: {  	_ =	swait.ge [sflag:s4], $0x1900  }
0x54: {  	[sflag:s4] =	ssyncset.done $0x0  }
.LBB2_2:
0x55: {  	[sflag:s4] =	ssyncadd.s32 $0xFFFFE700  }
0x56: {  	_ =	sfence.sel $0x180000  }
0x57: {  	[bflag:$0x0] =	sbarrier.arrive $0xFFFF  }
0x58: {  	p0 =	sne.s32 s0, $0x0;
	_ =	strace $0x9000004D  }
0x59: {  	s0 =	sadd.s32 @!p0 $0x100000, s1;
	[bflag:$0x2] =	sbarrier.arrive $0xFFFF  }
0x5a: {  	[sflag:s0] =	ssyncadd.tile.s32 @!p0 $0x1;
	_ =	shalt  }
.Lfunc_end2:
_tile_overlayer_lowered:
.L_overlay_start_2:
0x5b: {  	(tag) =	ssettag $0x2  }
0x5c: {  	s0 =	rddreg [dreg:$0x0];
	s2 =	stileid.u32  }
0x5d: {  	s1 =	rddreg [dreg:$0x1];
	p0 =	sne.s32 s2, $0x0  }
0x5e: {  	s3 =	rddreg [dreg:$0x2];
	[bflag:$0x3] =	sbarrier.arrive $0xFFFF;
	s2 =	simm.s32 @!p0 $0x1C02  }
0x5f: {  	[timem:s3], [sflag:s2] =	dma.local @!p0 [hbm:s0], s1  }
0x60: {  	s0 =	simm.s32 @!p0 $0x2  }
0x61: {  	_ =	swait.ge @!p0 [sflag:s0], s1  }
0x62: {  	s1 =	ssub.s32 @!p0 $0x0, s1;
	[sflag:s0] =	ssyncset.done @!p0 $0x0  }
0x63: {  	[sflag:s0] =	ssyncadd.s32 @!p0 s1  }
0x64: {  	[bflag:$0x3] =	sbarrier.arrive $0xFFFF  }
0x65: {  	_ =	shalt  }

// kernel: kernel.14.cloned.1.call-start
scs
__scs_entry_jumppad:
0x0: {  	(pc) =	sbr.rel $0x88, $3  }
0x1: {  	(tag) =	ssettag $0x0;
	lr =	simm.s32 $0x1  }
0x2: {  	[smem:$0x3F9B] =	sst lr;
	_ =	strace $0xD0000000  }
0x3: {  	_ = 	snop  }
0x4: {  	_ = 	snop  }
0x5: {  	_ = 	snop  }
0x6: {  	_ = 	snop  }
0x7: {  	_ = 	snop  }
__scs_overlays_trampoline_lowered:
0x8: {  	[smem:$0x3FAA] =	sst s0  }
0x9: {  	[smem:$0x3FAB] =	sst s1  }
0xa: {  	[smem:$0x3FAC] =	sst s2  }
0xb: {  	[smem:$0x3FAD] =	sst s3  }
0xc: {  	[smem:$0x3FAE] =	sst s4  }
0xd: {  	[smem:$0x3FAF] =	sst s5  }
0xe: {  	[smem:$0x3FB0] =	sst s6  }
0xf: {  	[smem:$0x3FB1] =	sst s7  }
0x10: {  	[smem:$0x3FB2] =	sst s8  }
0x11: {  	[smem:$0x3FB3] =	sst s9;
	s0 =	simm.s32 @!p0 $0x0  }
0x12: {  	s1 =	sld [smem:$0x3F99];
	s0 =	simm.s32 @p0 $0x1  }
0x13: {  	[smem:$0x3FB4] =	sst s0;
	s0 =	simm.s32 @!p1 $0x0  }
0x14: {  	s2 =	sld [smem:$0x3F98];
	s0 =	simm.s32 @p1 $0x1  }
0x15: {  	[smem:$0x3FB5] =	sst s0;
	s0 =	simm.s32 @!p2 $0x0  }
0x16: {  	s3 =	sld [smem:$0x3FDB];
	s0 =	simm.s32 @p2 $0x1  }
0x17: {  	s4 =	simm.s32 $0x1BF5;
	[smem:$0x3FB7] =	sst s0  }
0x18: {  	s0 =	sld [smem:$0x3F9A];
	_ =	swait.ge [sflag:s4], $0x0  }
0x19: {  	s7 =	sld [smem:$0x3F9B]  }
0x1a: {  	s8 =	sadd.s32 $0xFFFFE003, lr  }
0x1b: {  	s9 =	sadd.s32 $0xFFFFFEF7, lr;
	s5 =	simm.s32 $0xFFFFFFFF;
	p2 =	slt.u32 s8, $0xFFFFF086  }
0x1c: {  	p1 =	slt.u32 s9, $0xF7A;
	s5 =	simm.s32 @!p2 $0x0  }
0x1d: {  	s5 =	simm.s32 @p1 $0x1;
	p0 =	seq.s32 s7, s2  }
0x1e: {  	s7 =	smul.u32 @!p0 $0xF7A, s2;
	p2 =	seq.s32 @!p0 s5, $0x0  }
0x1f: {  	s9 =	smul.u32 $0xF7A, s1;
	s8 =	simm.s32 @!p0 $0x1BF5;
	p2 =	por !p2, p0  }
0x20: {  	[sflag:s8] =	ssyncset.s32 @!p0 $0xFFFFF086;
	s6 =	sadd.s32 @!p0 s3, s7;
	s7 =	simm.s32 @!p0 $0x108  }
0x21: {  	s3 =	sadd.s32 s3, s9;
	s6 =	sadd.s32 @!p0 $0x88, s6;
	s7 =	simm.s32 @p2 $0x1082  }
0x22: {  	[simem:s7], [sflag:s8] =	dma.local @!p0 [hbm:s6], $0xF7A  }
0x23: {  	s9 =	sor.u32 $0xD0000000, s2;
	s6 =	simm.s32 $0x108;
	_ =	swait.ge @!p0 [sflag:s8], $0x0  }
0x24: {  	s3 =	sadd.s32 $0x88, s3;
	s6 =	simm.s32 @!p1 $0x1082;
	[sflag:s4] =	ssyncset.s32 $0xFFFFF086  }
0x25: {  	[simem:s6], [sflag:s4] =	dma.local [hbm:s3], $0xF7A  }
0x26: {  	[smem:$0x3F9B] =	sst s1;
	(tag) =	ssettag s2;
	_ =	strace s9  }
0x27: {  	s1 =	sld [smem:$0x3FAB]  }
0x28: {  	s2 =	sld [smem:$0x3FAC]  }
0x29: {  	s4 =	sld [smem:$0x3FAE]  }
0x2a: {  	p0 =	seq.s32 s5, $0x0;
	s5 =	sld [smem:$0x3FAF]  }
0x2b: {  	s6 =	sld [smem:$0x3FB0]  }
0x2c: {  	s7 =	sld [smem:$0x3FB1]  }
0x2d: {  	s3 =	simm.s32 $0x108;
	s8 =	sld [smem:$0x3FB2]  }
0x2e: {  	s3 =	simm.s32 @!p0 $0x1082;
	s9 =	sld [smem:$0x3FB3]  }
0x2f: {  	lr =	sadd.s32 s0, s3;
	s0 =	sld [smem:$0x3FAA]  }
0x30: {  	s3 =	sld [smem:$0x3FAD]  }
0x31: {  	[smem:$0x3FB6] =	sst s10  }
0x32: {  	s10 =	sld [smem:$0x3FB4];
	_ =	sdelay $0x3  }
0x33: {  	p0 =	seq.s32 s10, $0x1;
	s10 =	sld [smem:$0x3FB6];
	_ =	sdelay $0x3  }
0x34: {  	[smem:$0x3FB6] =	sst s10  }
0x35: {  	s10 =	sld [smem:$0x3FB5];
	_ =	sdelay $0x3  }
0x36: {  	p1 =	seq.s32 s10, $0x1;
	s10 =	sld [smem:$0x3FB6];
	_ =	sdelay $0x3  }
0x37: {  	[smem:$0x3FB6] =	sst s10  }
0x38: {  	s10 =	sld [smem:$0x3FB7]  }
0x39: {  	_ = 	snop;
	(pc) =	sbr.ind lr, $3  }
0x3a: {  	_ = 	snop  }
0x3b: {  	_ = 	snop  }
0x3c: {  	p2 =	seq.s32 s10, $0x1;
	s10 =	sld [smem:$0x3FB6]  }
0x3d: {  	_ =	shalt  }
0x3e: {  	_ =	shalt  }
0x3f: {  	_ =	shalt  }
0x40: {  	_ =	shalt  }
0x41: {  	_ =	shalt  }
0x42: {  	_ =	shalt  }
0x43: {  	_ =	shalt  }
0x44: {  	_ =	shalt  }
0x45: {  	_ =	shalt  }
0x46: {  	_ =	shalt  }
0x47: {  	_ =	shalt  }
0x48: {  	_ =	shalt  }
0x49: {  	_ =	shalt  }
0x4a: {  	_ =	shalt  }
0x4b: {  	_ =	shalt  }
0x4c: {  	_ =	shalt  }
0x4d: {  	_ =	shalt  }
0x4e: {  	_ =	shalt  }
0x4f: {  	_ =	shalt  }
0x50: {  	_ =	shalt  }
0x51: {  	_ =	shalt  }
0x52: {  	_ =	shalt  }
0x53: {  	_ =	shalt  }
0x54: {  	_ =	shalt  }
0x55: {  	_ =	shalt  }
0x56: {  	_ =	shalt  }
0x57: {  	_ =	shalt  }
0x58: {  	_ =	shalt  }
0x59: {  	_ =	shalt  }
0x5a: {  	_ =	shalt  }
0x5b: {  	_ =	shalt  }
0x5c: {  	_ =	shalt  }
0x5d: {  	_ =	shalt  }
0x5e: {  	_ =	shalt  }
0x5f: {  	_ =	shalt  }
0x60: {  	_ =	shalt  }
0x61: {  	_ =	shalt  }
0x62: {  	_ =	shalt  }
0x63: {  	_ =	shalt  }
0x64: {  	_ =	shalt  }
0x65: {  	_ =	shalt  }
0x66: {  	_ =	shalt  }
0x67: {  	_ =	shalt  }
0x68: {  	_ =	shalt  }
0x69: {  	_ =	shalt  }
0x6a: {  	_ =	shalt  }
0x6b: {  	_ =	shalt  }
0x6c: {  	_ =	shalt  }
0x6d: {  	_ =	shalt  }
0x6e: {  	_ =	shalt  }
0x6f: {  	_ =	shalt  }
0x70: {  	_ =	shalt  }
0x71: {  	_ =	shalt  }
0x72: {  	_ =	shalt  }
0x73: {  	_ =	shalt  }
0x74: {  	_ =	shalt  }
0x75: {  	_ =	shalt  }
0x76: {  	_ =	shalt  }
0x77: {  	_ =	shalt  }
0x78: {  	_ =	shalt  }
0x79: {  	_ =	shalt  }
0x7a: {  	_ =	shalt  }
0x7b: {  	_ =	shalt  }
0x7c: {  	_ =	shalt  }
0x7d: {  	_ =	shalt  }
0x7e: {  	_ =	shalt  }
0x7f: {  	_ =	shalt  }
0x80: {  	_ =	shalt  }
0x81: {  	_ =	shalt  }
0x82: {  	_ =	shalt  }
0x83: {  	_ =	shalt  }
0x84: {  	_ =	shalt  }
0x85: {  	_ =	shalt  }
0x86: {  	_ =	shalt  }
0x87: {  	_ =	shalt  }
.Lfunc_end0:
.L_simem_size_0:
called_computation.2_lowered:
.L_overlay_start_0:
0x88: {  	s2 =	sld [smem:$0x3FD9]  }
0x89: {  	s3 =	sld [smem:$0x3FFE];
	_ =	sdelay $0x1  }
0x8a: {  	s1 =	srdreg.scid  }
0x8b: {  	s0 =	sand.u32 $0x1, s1  }
0x8c: {  	s16 =	sshll.u32 s0, $0xA;
	s2 =	sadd.s32 s3, s2  }
0x8d: {  	s2 =	sadd.s32 s2, s16  }
0x8e: {  	[smem:$0x3FC2] =	sst s2  }
0x8f: {  	_ = 	snop  }
0x90: {  	(tm) =	ssettm $0x1  }
0x91: {  	s17 =	sld [smem:$0x3FFB];
	_ =	sdelay $0x3  }
0x92: {  	_ =	strace s17  }
0x93: {  	s2 =	sld [smem:$0x3FFC];
	_ =	sdelay $0x3  }
0x94: {  	_ =	strace s2  }
0x95: {  	s2 =	sld [smem:$0x3FFD];
	_ =	sdelay $0x3  }
0x96: {  	_ =	strace s2  }
0x97: {  	_ =	strace $0x8FFFFFFF  }
0x98: {  	s18 =	sld [smem:$0x3FDB];
	_ =	sdelay $0x1  }
0x99: {  	s19 =	simm.s32 $_scs_section_size  }
0x9a: {  	s4 =	simm.s32 $_size__tile_overlayer_lowered;
	s5 =	simm.s32 $_tile_overlayer_lowered  }
0x9b: {  	s22 =	simm.s32 $0x1BFF;
	s21 =	sshll.u32 s5, $0x1;
	s2 =	sadd.s32 s19, s18  }
0x9c: {  	s6 =	simm.s32 $0x0;
	s20 =	sshll.u32 s4, $0x1;
	s4 =	sadd.s32 s21, s2  }
0x9d: {  	[timem:s6], [sflag:s22] =	dma.local [hbm:s4], s20  }
0x9e: {  	_ =	swait.ge [sflag:s22], s20  }
0x9f: {  	s3 =	ssub.s32 $0x0, s20;
	[sflag:s22] =	ssyncset.done $0x0  }
0xa0: {  	[sflag:s22] =	ssyncadd.s32 s3;
	_ =	sdelay $0x1  }
0xa1: {  	s23 =	simm.s32 $0x1B8B  }
0xa2: {  	_ =	swait.ge [sflag:s23], $0x1  }
0xa3: {  	[sflag:s23] =	ssyncset.done $0x0  }
0xa4: {  	s25 =	simm.s32 $0x1B8E;
	s24 =	sld [smem:$0x3FFE];
	[sflag:s23] =	ssyncadd.s32 $0xFFFFFFFF  }
0xa5: {  	s26 =	simm.s32 $execute0_lowered;
	[smem:$0x3FD2] =	sst s25  }
0xa6: {  	s4 =	sshll.u32 s26, $0x1;
	_ =	strace $0x80000049;
	[dreg:$0x1] =	wrdreg $0xFFFFFFFF  }
0xa7: {  	s28 =	simm.s32 $_size_execute0_lowered;
	s2 =	sadd.s32 s2, s4;
	[dreg:$0x0] =	wrdreg $0x0  }
0xa8: {  	s4 =	sshll.u32 s28, $0x1;
	[dreg:$0x2] =	wrdreg s2  }
0xa9: {  	[dreg:$0x3] =	wrdreg s4  }
0xaa: {  	[dreg:$0x4] =	wrdreg $0xC0  }
0xab: {  	_ =	task [dreg:s6], $0x5FFFF  }
0xac: {  	[dreg:$0x1] =	wrdreg $0xFFFFFFFF  }
0xad: {  	[dreg:$0x0] =	wrdreg $0x60  }
0xae: {  	[dreg:$0x2] =	wrdreg s24  }
0xaf: {  	[dreg:$0x3] =	wrdreg $0xA  }
0xb0: {  	_ =	task.clear_ibuf [dreg:s6], $0x4FFFF;
	_ =	strace $0x90000049  }
0xb1: {  	s29 =	simm.s32 $0xA;
	_ =	strace $0x8000004B  }
0xb2: {  	_ =	swait.ge [sflag:s29], $0x1  }
0xb3: {  	[sflag:s29] =	ssyncadd.s32 $0xFFFFFFFF  }
0xb4: {  	_ =	strace $0x9000004B  }
0xb5: {  	_ =	sfence  }
0xb6: {  	s30 =	sld [smem:$0x0];
	_ =	sdelay $0x2  }
0xb7: {  	s31 =	sshll.u32 s1, $0xD;
	s1 =	sshrl.u32 s1, $0x2  }
0xb8: {  	s3 =	sand.u32 $0x4000, s31;
	s1 =	sadd.s32 s1, s30  }
0xb9: {  	s0 =	sor.u32 s3, s0;
	s1 =	sshll.u32 s1, $0x11  }
0xba: {  	s0 =	sor.u32 s1, s0  }
0xbb: {  	s0 =	sadd.s32 $0x8F2B, s0  }
0xbc: {  	[sflag:s0] =	ssyncadd.remote.s32 $0x1  }
0xbd: {  	_ =	sfence.sel $0xFFFF  }
0xbe: {  	[dreg:$0x0] =	wrdreg $0xFFFFFFFF;
	(pc) =	sbr.abs _section_cstart, $3  }
0xbf: {  	[dreg:$0x1] =	wrdreg $0xFFFFFFFF  }
0xc0: {  	_ =	task.clear_ibuf [dreg:s6], $0x2FFFF;
	_ =	strace $0x9FFFFFFF  }
0xc1: {  	(tm) =	ssettm $0x7FFFFFFF  }
tec
execute0_lowered:
.L_overlay_start_1:
0x0: {  	(tag) =	ssettag $0x1  }
0x1: {  	s1 =	srdreg.scid;
	s0 =	stileid.u32  }
0x2: {  	s16 =	sand.u32 $0x1, s1;
	s31 =	sshll.u32 s0, $0x1  }
0x3: {  	s1 =	sor.u32 s16, s31  }
0x4: {  	s11 =	rddreg [dreg:$0x0];
	s2 =	simm.s32 $0x0;
	s3 =	smul.u32 $0x320, s1  }
0x5: {  	[smem:$0x7FF] =	sst s2  }
0x6: {  	s1 =	rddreg [dreg:$0x1];
	s17 =	sadd.s32 s3, s11  }
0x7: {  	_ =	strace $0x8000004A;
	s3 =	simm.s32 $0x2;
	s4 =	sadd.s32 $0x4600, s17  }
0x8: {  	[tilespmem:s2], [sflag:$0x2] =	stream.linear.gather [hbm4b:s4+s2], $0x1900, $0x38;
	[tilespmem:$0x7D00] =	vst v63  }
0x9: {  	_ =	swait.ge [sflag:s3], $0x1900  }
0xa: {  	[sflag:s3] =	ssyncset.done $0x0  }
0xb: {  	s6 =	simm.s32 $0x1900;
	s5 =	sadd.s32 $0x10E00, s11;
	[sflag:s3] =	ssyncadd.s32 $0xFFFFE700  }
0xc: {  	[tilespmem:s6], [sflag:$0x1] =	stream.indirect.gather [hbm4b:s5+s6], $0x1, s2, s6, $0xb8;
	[tilespmem:$0x7D00] =	vst v63  }
0xd: {  	s8 =	simm.s32 $0x3200;
	s7 =	sadd.s32 $0x30E00, s11  }
0xe: {  	[tilespmem:s8], [sflag:$0x1] =	stream.indirect.gather [hbm4b:s7+s6], $0x1, s2, s6, $0xb8;
	[tilespmem:$0x7D00] =	vst v63  }
0xf: {  	s10 =	simm.s32 $0x4B00;
	s9 =	sadd.s32 $0x50E00, s11  }
0x10: {  	[tilespmem:s10], [sflag:$0x1] =	stream.indirect.gather [hbm4b:s9+s6], $0x1, s2, s6, $0xb8;
	[tilespmem:$0x7D00] =	vst v63  }
0x11: {  	s12 =	simm.s32 $0x6400;
	s13 =	simm.s32 $0x1;
	s11 =	sadd.s32 $0x70E00, s11  }
0x12: {  	[tilespmem:s12], [sflag:$0x1] =	stream.indirect.gather [hbm4b:s11+s6], $0x1, s2, s6, $0xb8;
	[tilespmem:$0x7D00] =	vst v63  }
0x13: {  	_ =	swait.ge [sflag:s13], $0x1900  }
0x14: {  	[sflag:s13] =	ssyncset.done $0x0  }
0x15: {  	[sflag:s13] =	ssyncadd.s32 $0xFFFFE700  }
0x16: {  	_ =	swait.ge [sflag:s13], $0x1900  }
0x17: {  	[sflag:s13] =	ssyncset.done $0x0  }
0x18: {  	[sflag:s13] =	ssyncadd.s32 $0xFFFFE700  }
0x19: {  	_ =	swait.ge [sflag:s13], $0x1900  }
0x1a: {  	[sflag:s13] =	ssyncset.done $0x0  }
0x1b: {  	[sflag:s13] =	ssyncadd.s32 $0xFFFFE700  }
0x1c: {  	_ =	swait.ge [sflag:s13], $0x1900  }
0x1d: {  	[sflag:s13] =	ssyncset.done $0x0  }
0x1e: {  	s14 =	sadd.s32 $0x90E00, s17;
	[sflag:s13] =	ssyncadd.s32 $0xFFFFE700  }
0x1f: {  	[hbm4b:s14+s2] =	stream.linear.scatter [tilespmem:s6], [sflag:$0x2], $0x1900, $0x38;
	[tilespmem:$0x7D00] =	vst v63  }
0x20: {  	_ =	swait.ge [sflag:s3], $0x1900  }
0x21: {  	[sflag:s3] =	ssyncset.done $0x0  }
0x22: {  	s18 =	ssub.s32 $0x2, s16;
	s15 =	sadd.s32 $0x97200, s17;
	[sflag:s3] =	ssyncadd.s32 $0xFFFFE700  }
0x23: {  	[hbm4b:s15+s2] =	stream.linear.scatter [tilespmem:s8], [sflag:$0x2], $0x1900, $0x38;
	[tilespmem:$0x7D00] =	vst v63  }
0x24: {  	s19 =	sshrl.u32 s18, $0x1;
	_ =	swait.ge [sflag:s3], $0x1900  }
0x25: {  	s18 =	ssub.s32 s18, s19;
	[sflag:s3] =	ssyncset.done $0x0  }
0x26: {  	s18 =	smax.u32 s18, $0x1;
	s16 =	sadd.s32 $0x9D600, s17;
	[sflag:s3] =	ssyncadd.s32 $0xFFFFE700  }
0x27: {  	[hbm4b:s16+s2] =	stream.linear.scatter [tilespmem:s10], [sflag:$0x2], $0x1900, $0x38;
	[tilespmem:$0x7D00] =	vst v63  }
0x28: {  	p0 =	sne.s32 s18, $0x1;
	_ =	swait.ge [sflag:s3], $0x1900  }
.Ltmp0:
0x29: {  	[sflag:s3] =	ssyncset.done $0x0;
	(pc) =	sbr.rel @!p0 .LBB2_2-.Ltmp0, $4  }
0x2a: {  	s17 =	sadd.s32 $0xA3A00, s17;
	[sflag:s3] =	ssyncadd.s32 $0xFFFFE700  }
0x2b: {  	[hbm4b:s17+s2] =	stream.linear.scatter [tilespmem:s12], [sflag:$0x2], $0x1900, $0x38;
	[tilespmem:$0x7D00] =	vst v63  }
0x2c: {  	_ =	swait.ge [sflag:s3], $0x1900  }
0x2d: {  	s18 =	sadd.s32 $0xFFFFFFFF, s18;
	[sflag:s3] =	ssyncset.done $0x0  }
.LBB2_1:
0x2e: {  	p0 =	sne.s32 s18, $0x1;
	s18 =	sadd.s32 $0xFFFFFFFF, s18;
	[sflag:s3] =	ssyncadd.s32 $0xFFFFE700  }
0x2f: {  	[tilespmem:s2], [sflag:$0x2] =	stream.linear.gather [hbm4b:s4+s2], $0x1900, $0x38;
	[tilespmem:$0x7D00] =	vst v63  }
0x30: {  	_ =	swait.ge [sflag:s3], $0x1900  }
0x31: {  	[sflag:s3] =	ssyncset.done $0x0  }
0x32: {  	[sflag:s3] =	ssyncadd.s32 $0xFFFFE700  }
0x33: {  	[tilespmem:s6], [sflag:$0x1] =	stream.indirect.gather [hbm4b:s5+s6], $0x1, s2, s6, $0xb8;
	[tilespmem:$0x7D00] =	vst v63  }
0x34: {  	_ = 	snop  }
0x35: {  	[tilespmem:s8], [sflag:$0x1] =	stream.indirect.gather [hbm4b:s7+s6], $0x1, s2, s6, $0xb8;
	[tilespmem:$0x7D00] =	vst v63  }
0x36: {  	_ = 	snop  }
0x37: {  	[tilespmem:s10], [sflag:$0x1] =	stream.indirect.gather [hbm4b:s9+s6], $0x1, s2, s6, $0xb8;
	[tilespmem:$0x7D00] =	vst v63  }
0x38: {  	_ = 	snop  }
0x39: {  	[tilespmem:s12], [sflag:$0x1] =	stream.indirect.gather [hbm4b:s11+s6], $0x1, s2, s6, $0xb8;
	[tilespmem:$0x7D00] =	vst v63  }
0x3a: {  	_ =	swait.ge [sflag:s13], $0x1900  }
0x3b: {  	[sflag:s13] =	ssyncset.done $0x0  }
0x3c: {  	[sflag:s13] =	ssyncadd.s32 $0xFFFFE700  }
0x3d: {  	_ =	swait.ge [sflag:s13], $0x1900  }
0x3e: {  	[sflag:s13] =	ssyncset.done $0x0  }
0x3f: {  	[sflag:s13] =	ssyncadd.s32 $0xFFFFE700  }
0x40: {  	_ =	swait.ge [sflag:s13], $0x1900  }
0x41: {  	[sflag:s13] =	ssyncset.done $0x0  }
0x42: {  	[sflag:s13] =	ssyncadd.s32 $0xFFFFE700  }
0x43: {  	_ =	swait.ge [sflag:s13], $0x1900  }
0x44: {  	[sflag:s13] =	ssyncset.done $0x0  }
0x45: {  	[sflag:s13] =	ssyncadd.s32 $0xFFFFE700  }
0x46: {  	[hbm4b:s14+s2] =	stream.linear.scatter [tilespmem:s6], [sflag:$0x2], $0x1900, $0x38;
	[tilespmem:$0x7D00] =	vst v63  }
0x47: {  	_ =	swait.ge [sflag:s3], $0x1900  }
0x48: {  	[sflag:s3] =	ssyncset.done $0x0  }
0x49: {  	[sflag:s3] =	ssyncadd.s32 $0xFFFFE700  }
0x4a: {  	[hbm4b:s15+s2] =	stream.linear.scatter [tilespmem:s8], [sflag:$0x2], $0x1900, $0x38;
	[tilespmem:$0x7D00] =	vst v63  }
0x4b: {  	_ =	swait.ge [sflag:s3], $0x1900  }
0x4c: {  	[sflag:s3] =	ssyncset.done $0x0  }
0x4d: {  	[sflag:s3] =	ssyncadd.s32 $0xFFFFE700  }
0x4e: {  	[hbm4b:s16+s2] =	stream.linear.scatter [tilespmem:s10], [sflag:$0x2], $0x1900, $0x38;
	[tilespmem:$0x7D00] =	vst v63  }
0x4f: {  	_ =	swait.ge [sflag:s3], $0x1900  }
.Ltmp1:
0x50: {  	[sflag:s3] =	ssyncset.done $0x0;
	(pc) =	sbr.rel @p0 .LBB2_1-.Ltmp1, $4  }
0x51: {  	[sflag:s3] =	ssyncadd.s32 $0xFFFFE700  }
0x52: {  	[hbm4b:s17+s2] =	stream.linear.scatter [tilespmem:s12], [sflag:$0x2], $0x1900, $0x38;
	[tilespmem:$0x7D00] =	vst v63  }
0x53: {  	_ =	swait.ge [sflag:s3], $0x1900  }
0x54: {  	[sflag:s3] =	ssyncset.done $0x0  }
.LBB2_2:
0x55: {  	[sflag:s3] =	ssyncadd.s32 $0xFFFFE700  }
0x56: {  	_ =	sfence.sel $0x180000  }
0x57: {  	[bflag:$0x0] =	sbarrier.arrive $0xFFFF  }
0x58: {  	p0 =	sne.s32 s0, $0x0;
	_ =	strace $0x9000004A  }
0x59: {  	s0 =	sadd.s32 @!p0 $0x100000, s1;
	[bflag:$0x2] =	sbarrier.arrive $0xFFFF  }
0x5a: {  	[sflag:s0] =	ssyncadd.tile.s32 @!p0 $0x1;
	_ =	shalt  }
.Lfunc_end2:
_tile_overlayer_lowered:
.L_overlay_start_2:
0x5b: {  	(tag) =	ssettag $0x2  }
0x5c: {  	s0 =	rddreg [dreg:$0x0];
	s2 =	stileid.u32  }
0x5d: {  	s1 =	rddreg [dreg:$0x1];
	p0 =	sne.s32 s2, $0x0  }
0x5e: {  	s3 =	rddreg [dreg:$0x2];
	[bflag:$0x3] =	sbarrier.arrive $0xFFFF;
	s2 =	simm.s32 @!p0 $0x1C02  }
0x5f: {  	[timem:s3], [sflag:s2] =	dma.local @!p0 [hbm:s0], s1  }
0x60: {  	s0 =	simm.s32 @!p0 $0x2  }
0x61: {  	_ =	swait.ge @!p0 [sflag:s0], s1  }
0x62: {  	s1 =	ssub.s32 @!p0 $0x0, s1;
	[sflag:s0] =	ssyncset.done @!p0 $0x0  }
0x63: {  	[sflag:s0] =	ssyncadd.s32 @!p0 s1  }
0x64: {  	[bflag:$0x3] =	sbarrier.arrive $0xFFFF  }
0x65: {  	_ =	shalt  }

// kernel: kernel.8.cloned.1.call-start
scs
__scs_entry_jumppad:
0x0: {  	(pc) =	sbr.rel $0x88, $3  }
0x1: {  	(tag) =	ssettag $0x0;
	lr =	simm.s32 $0x1  }
0x2: {  	[smem:$0x3F9B] =	sst lr;
	_ =	strace $0xD0000000  }
0x3: {  	_ = 	snop  }
0x4: {  	_ = 	snop  }
0x5: {  	_ = 	snop  }
0x6: {  	_ = 	snop  }
0x7: {  	_ = 	snop  }
__scs_overlays_trampoline_lowered:
0x8: {  	[smem:$0x3FAA] =	sst s0  }
0x9: {  	[smem:$0x3FAB] =	sst s1  }
0xa: {  	[smem:$0x3FAC] =	sst s2  }
0xb: {  	[smem:$0x3FAD] =	sst s3  }
0xc: {  	[smem:$0x3FAE] =	sst s4  }
0xd: {  	[smem:$0x3FAF] =	sst s5  }
0xe: {  	[smem:$0x3FB0] =	sst s6  }
0xf: {  	[smem:$0x3FB1] =	sst s7  }
0x10: {  	[smem:$0x3FB2] =	sst s8  }
0x11: {  	[smem:$0x3FB3] =	sst s9;
	s0 =	simm.s32 @!p0 $0x0  }
0x12: {  	s1 =	sld [smem:$0x3F99];
	s0 =	simm.s32 @p0 $0x1  }
0x13: {  	[smem:$0x3FB4] =	sst s0;
	s0 =	simm.s32 @!p1 $0x0  }
0x14: {  	s2 =	sld [smem:$0x3F98];
	s0 =	simm.s32 @p1 $0x1  }
0x15: {  	[smem:$0x3FB5] =	sst s0;
	s0 =	simm.s32 @!p2 $0x0  }
0x16: {  	s3 =	sld [smem:$0x3FDB];
	s0 =	simm.s32 @p2 $0x1  }
0x17: {  	s4 =	simm.s32 $0x1BF5;
	[smem:$0x3FB7] =	sst s0  }
0x18: {  	s0 =	sld [smem:$0x3F9A];
	_ =	swait.ge [sflag:s4], $0x0  }
0x19: {  	s7 =	sld [smem:$0x3F9B]  }
0x1a: {  	s8 =	sadd.s32 $0xFFFFE003, lr  }
0x1b: {  	s9 =	sadd.s32 $0xFFFFFEF7, lr;
	s5 =	simm.s32 $0xFFFFFFFF;
	p2 =	slt.u32 s8, $0xFFFFF086  }
0x1c: {  	p1 =	slt.u32 s9, $0xF7A;
	s5 =	simm.s32 @!p2 $0x0  }
0x1d: {  	s5 =	simm.s32 @p1 $0x1;
	p0 =	seq.s32 s7, s2  }
0x1e: {  	s7 =	smul.u32 @!p0 $0xF7A, s2;
	p2 =	seq.s32 @!p0 s5, $0x0  }
0x1f: {  	s9 =	smul.u32 $0xF7A, s1;
	s8 =	simm.s32 @!p0 $0x1BF5;
	p2 =	por !p2, p0  }
0x20: {  	[sflag:s8] =	ssyncset.s32 @!p0 $0xFFFFF086;
	s6 =	sadd.s32 @!p0 s3, s7;
	s7 =	simm.s32 @!p0 $0x108  }
0x21: {  	s3 =	sadd.s32 s3, s9;
	s6 =	sadd.s32 @!p0 $0x88, s6;
	s7 =	simm.s32 @p2 $0x1082  }
0x22: {  	[simem:s7], [sflag:s8] =	dma.local @!p0 [hbm:s6], $0xF7A  }
0x23: {  	s9 =	sor.u32 $0xD0000000, s2;
	s6 =	simm.s32 $0x108;
	_ =	swait.ge @!p0 [sflag:s8], $0x0  }
0x24: {  	s3 =	sadd.s32 $0x88, s3;
	s6 =	simm.s32 @!p1 $0x1082;
	[sflag:s4] =	ssyncset.s32 $0xFFFFF086  }
0x25: {  	[simem:s6], [sflag:s4] =	dma.local [hbm:s3], $0xF7A  }
0x26: {  	[smem:$0x3F9B] =	sst s1;
	(tag) =	ssettag s2;
	_ =	strace s9  }
0x27: {  	s1 =	sld [smem:$0x3FAB]  }
0x28: {  	s2 =	sld [smem:$0x3FAC]  }
0x29: {  	s4 =	sld [smem:$0x3FAE]  }
0x2a: {  	p0 =	seq.s32 s5, $0x0;
	s5 =	sld [smem:$0x3FAF]  }
0x2b: {  	s6 =	sld [smem:$0x3FB0]  }
0x2c: {  	s7 =	sld [smem:$0x3FB1]  }
0x2d: {  	s3 =	simm.s32 $0x108;
	s8 =	sld [smem:$0x3FB2]  }
0x2e: {  	s3 =	simm.s32 @!p0 $0x1082;
	s9 =	sld [smem:$0x3FB3]  }
0x2f: {  	lr =	sadd.s32 s0, s3;
	s0 =	sld [smem:$0x3FAA]  }
0x30: {  	s3 =	sld [smem:$0x3FAD]  }
0x31: {  	[smem:$0x3FB6] =	sst s10  }
0x32: {  	s10 =	sld [smem:$0x3FB4];
	_ =	sdelay $0x3  }
0x33: {  	p0 =	seq.s32 s10, $0x1;
	s10 =	sld [smem:$0x3FB6];
	_ =	sdelay $0x3  }
0x34: {  	[smem:$0x3FB6] =	sst s10  }
0x35: {  	s10 =	sld [smem:$0x3FB5];
	_ =	sdelay $0x3  }
0x36: {  	p1 =	seq.s32 s10, $0x1;
	s10 =	sld [smem:$0x3FB6];
	_ =	sdelay $0x3  }
0x37: {  	[smem:$0x3FB6] =	sst s10  }
0x38: {  	s10 =	sld [smem:$0x3FB7]  }
0x39: {  	_ = 	snop;
	(pc) =	sbr.ind lr, $3  }
0x3a: {  	_ = 	snop  }
0x3b: {  	_ = 	snop  }
0x3c: {  	p2 =	seq.s32 s10, $0x1;
	s10 =	sld [smem:$0x3FB6]  }
0x3d: {  	_ =	shalt  }
0x3e: {  	_ =	shalt  }
0x3f: {  	_ =	shalt  }
0x40: {  	_ =	shalt  }
0x41: {  	_ =	shalt  }
0x42: {  	_ =	shalt  }
0x43: {  	_ =	shalt  }
0x44: {  	_ =	shalt  }
0x45: {  	_ =	shalt  }
0x46: {  	_ =	shalt  }
0x47: {  	_ =	shalt  }
0x48: {  	_ =	shalt  }
0x49: {  	_ =	shalt  }
0x4a: {  	_ =	shalt  }
0x4b: {  	_ =	shalt  }
0x4c: {  	_ =	shalt  }
0x4d: {  	_ =	shalt  }
0x4e: {  	_ =	shalt  }
0x4f: {  	_ =	shalt  }
0x50: {  	_ =	shalt  }
0x51: {  	_ =	shalt  }
0x52: {  	_ =	shalt  }
0x53: {  	_ =	shalt  }
0x54: {  	_ =	shalt  }
0x55: {  	_ =	shalt  }
0x56: {  	_ =	shalt  }
0x57: {  	_ =	shalt  }
0x58: {  	_ =	shalt  }
0x59: {  	_ =	shalt  }
0x5a: {  	_ =	shalt  }
0x5b: {  	_ =	shalt  }
0x5c: {  	_ =	shalt  }
0x5d: {  	_ =	shalt  }
0x5e: {  	_ =	shalt  }
0x5f: {  	_ =	shalt  }
0x60: {  	_ =	shalt  }
0x61: {  	_ =	shalt  }
0x62: {  	_ =	shalt  }
0x63: {  	_ =	shalt  }
0x64: {  	_ =	shalt  }
0x65: {  	_ =	shalt  }
0x66: {  	_ =	shalt  }
0x67: {  	_ =	shalt  }
0x68: {  	_ =	shalt  }
0x69: {  	_ =	shalt  }
0x6a: {  	_ =	shalt  }
0x6b: {  	_ =	shalt  }
0x6c: {  	_ =	shalt  }
0x6d: {  	_ =	shalt  }
0x6e: {  	_ =	shalt  }
0x6f: {  	_ =	shalt  }
0x70: {  	_ =	shalt  }
0x71: {  	_ =	shalt  }
0x72: {  	_ =	shalt  }
0x73: {  	_ =	shalt  }
0x74: {  	_ =	shalt  }
0x75: {  	_ =	shalt  }
0x76: {  	_ =	shalt  }
0x77: {  	_ =	shalt  }
0x78: {  	_ =	shalt  }
0x79: {  	_ =	shalt  }
0x7a: {  	_ =	shalt  }
0x7b: {  	_ =	shalt  }
0x7c: {  	_ =	shalt  }
0x7d: {  	_ =	shalt  }
0x7e: {  	_ =	shalt  }
0x7f: {  	_ =	shalt  }
0x80: {  	_ =	shalt  }
0x81: {  	_ =	shalt  }
0x82: {  	_ =	shalt  }
0x83: {  	_ =	shalt  }
0x84: {  	_ =	shalt  }
0x85: {  	_ =	shalt  }
0x86: {  	_ =	shalt  }
0x87: {  	_ =	shalt  }
.Lfunc_end0:
.L_simem_size_0:
called_computation_lowered:
.L_overlay_start_0:
0x88: {  	s2 =	sld [smem:$0x3FD9]  }
0x89: {  	s3 =	sld [smem:$0x3FFE];
	_ =	sdelay $0x1  }
0x8a: {  	s1 =	srdreg.scid  }
0x8b: {  	s0 =	sand.u32 $0x1, s1  }
0x8c: {  	s17 =	sshll.u32 s0, $0xA;
	s2 =	sadd.s32 s3, s2  }
0x8d: {  	s2 =	sadd.s32 s2, s17  }
0x8e: {  	[smem:$0x3FC2] =	sst s2  }
0x8f: {  	_ = 	snop  }
0x90: {  	s2 =	sld [smem:$0x3FC8]  }
0x91: {  	s18 =	sld [smem:$0x3FD0];
	(tm) =	ssettm $0x1  }
0x92: {  	s4 =	sld [smem:$0x3FFB];
	_ =	sdelay $0x3  }
0x93: {  	_ =	strace s4  }
0x94: {  	s4 =	sld [smem:$0x3FFC];
	_ =	sdelay $0x3  }
0x95: {  	_ =	strace s4  }
0x96: {  	s4 =	sld [smem:$0x3FFD];
	_ =	sdelay $0x3  }
0x97: {  	_ =	strace s4  }
0x98: {  	_ =	strace $0x8FFFFFFF  }
0x99: {  	s19 =	sld [smem:$0x3FDB];
	_ =	sdelay $0x1  }
0x9a: {  	s5 =	simm.s32 $_scs_section_size  }
0x9b: {  	s6 =	simm.s32 $_size__tile_overlayer_lowered;
	s7 =	simm.s32 $_tile_overlayer_lowered  }
0x9c: {  	s22 =	simm.s32 $0x1BFF;
	s21 =	sshll.u32 s7, $0x1;
	s4 =	sadd.s32 s5, s19  }
0x9d: {  	s8 =	simm.s32 $0x0;
	s20 =	sshll.u32 s6, $0x1;
	s6 =	sadd.s32 s21, s4  }
0x9e: {  	[timem:s8], [sflag:s22] =	dma.local [hbm:s6], s20  }
0x9f: {  	_ =	swait.ge [sflag:s22], s20  }
0xa0: {  	s5 =	ssub.s32 $0x0, s20;
	[sflag:s22] =	ssyncset.done $0x0  }
0xa1: {  	[sflag:s22] =	ssyncadd.s32 s5;
	_ =	sdelay $0x1  }
0xa2: {  	s23 =	simm.s32 $0x1B8B  }
0xa3: {  	_ =	swait.ge [sflag:s23], $0x1  }
0xa4: {  	[sflag:s23] =	ssyncset.done $0x0  }
0xa5: {  	s25 =	simm.s32 $0x1B8E;
	s24 =	sld [smem:$0x3FFE];
	[sflag:s23] =	ssyncadd.s32 $0xFFFFFFFF  }
0xa6: {  	s26 =	simm.s32 $execute0_lowered;
	[smem:$0x3FD2] =	sst s25  }
0xa7: {  	s6 =	sshll.u32 s26, $0x1;
	_ =	strace $0x80000046;
	[dreg:$0x1] =	wrdreg $0xFFFFFFFF  }
0xa8: {  	s28 =	simm.s32 $_size_execute0_lowered;
	s4 =	sadd.s32 s4, s6;
	[dreg:$0x0] =	wrdreg $0x0  }
0xa9: {  	s6 =	sshll.u32 s28, $0x1;
	[dreg:$0x2] =	wrdreg s4  }
0xaa: {  	[dreg:$0x3] =	wrdreg s6  }
0xab: {  	[dreg:$0x4] =	wrdreg $0xC0  }
0xac: {  	_ =	task [dreg:s8], $0x5FFFF  }
0xad: {  	[dreg:$0x1] =	wrdreg $0xFFFFFFFF  }
0xae: {  	[dreg:$0x0] =	wrdreg $0x60  }
0xaf: {  	[dreg:$0x2] =	wrdreg s18  }
0xb0: {  	[dreg:$0x3] =	wrdreg s2  }
0xb1: {  	[dreg:$0x4] =	wrdreg s24  }
0xb2: {  	[dreg:$0x5] =	wrdreg $0x9  }
0xb3: {  	_ =	task.clear_ibuf [dreg:s8], $0x6FFFF;
	_ =	strace $0x90000046  }
0xb4: {  	s29 =	simm.s32 $0x9;
	_ =	strace $0x80000048  }
0xb5: {  	_ =	swait.ge [sflag:s29], $0x1  }
0xb6: {  	[sflag:s29] =	ssyncadd.s32 $0xFFFFFFFF  }
0xb7: {  	_ =	strace $0x90000048  }
0xb8: {  	_ =	sfence  }
0xb9: {  	s30 =	sld [smem:$0x0];
	_ =	sdelay $0x2  }
0xba: {  	s31 =	sshll.u32 s1, $0xD;
	s1 =	sshrl.u32 s1, $0x2  }
0xbb: {  	s3 =	sand.u32 $0x4000, s31;
	s1 =	sadd.s32 s1, s30  }
0xbc: {  	s0 =	sor.u32 s3, s0;
	s1 =	sshll.u32 s1, $0x11  }
0xbd: {  	s0 =	sor.u32 s1, s0  }
0xbe: {  	s0 =	sadd.s32 $0x8F2B, s0  }
0xbf: {  	[sflag:s0] =	ssyncadd.remote.s32 $0x1  }
0xc0: {  	_ =	sfence.sel $0xFFFF  }
0xc1: {  	[dreg:$0x0] =	wrdreg $0xFFFFFFFF;
	(pc) =	sbr.abs _section_cstart, $3  }
0xc2: {  	[dreg:$0x1] =	wrdreg $0xFFFFFFFF  }
0xc3: {  	_ =	task.clear_ibuf [dreg:s8], $0x2FFFF;
	_ =	strace $0x9FFFFFFF  }
0xc4: {  	(tm) =	ssettm $0x7FFFFFFF  }
0xc5: {  	_ =	shalt  }
tec
execute0_lowered:
.L_overlay_start_1:
0x0: {  	(tag) =	ssettag $0x1  }
0x1: {  	s4 =	rddreg [dreg:$0x0]  }
0x2: {  	s2 =	rddreg [dreg:$0x1];
	s1 =	srdreg.scid  }
0x3: {  	s0 =	stileid.u32;
	s5 =	rddreg [dreg:$0x2]  }
0x4: {  	s10 =	simm.s32 $0x1;
	s6 =	sand.u32 $0x1, s1;
	s3 =	sshll.u32 s0, $0x1  }
0x5: {  	s11 =	simm.s32 $0x3200;
	s1 =	rddreg [dreg:$0x3];
	s7 =	sor.u32 s6, s3  }
0x6: {  	s3 =	simm.s32 $0x0;
	s6 =	ssub.s32 $0x2, s6;
	s7 =	smul.u32 $0x320, s7  }
0x7: {  	s12 =	simm.s32 $0x0;
	[smem:$0x7FF] =	sst s3;
	s8 =	sshrl.u32 s6, $0x1  }
0x8: {  	_ =	strace $0x80000047;
	s8 =	ssub.s32 s6, s8;
	s9 =	sadd.s32 s7, s5  }
0x9: {  	s4 =	sadd.s32 s4, s7;
	s7 =	smax.u32 s8, $0x1;
	s8 =	simm.s32 $0x2  }
0xa: {  	s5 =	sadd.s32 $0xAA00, s9;
	s6 =	sadd.s32 $0x4600, s9;
	s9 =	simm.s32 $0x1900  }
.LBB2_1:
0xb: {  	[tilespmem:s3], [sflag:$0x2] =	stream.linear.gather [hbm4b:s4+s3], $0x1900, $0x38;
	[tilespmem:$0x4B00] =	vst v63  }
0xc: {  	_ =	swait.ge [sflag:s8], $0x1900  }
0xd: {  	[sflag:s8] =	ssyncset.done $0x0  }
0xe: {  	[sflag:s8] =	ssyncadd.s32 $0xFFFFE700  }
0xf: {  	[tilespmem:s9], [sflag:$0x1] =	stream.indirect.gather [hbm4b:s2+s9], $0x1, s3, s9, $0xb8;
	[tilespmem:$0x4B00] =	vst v63  }
0x10: {  	_ =	swait.ge [sflag:s10], $0x1900  }
0x11: {  	[sflag:s10] =	ssyncset.done $0x0  }
0x12: {  	s13 =	simm.s32 $0x0;
	[sflag:s10] =	ssyncadd.s32 $0xFFFFE700  }
0x13: {  	s14 =	simm.s32 $0x40;
	v0 =	vld [tilespmem:s13+$0x1900]  }
.LBB2_2:
0x14: {  	_ =	sdelay $0x1  }
0x15: {  	p0 =	sne.s32 s14, $0x63C0  }
.Ltmp0:
0x16: {  	_ = 	snop;
	(pc) =	sbr.rel @p0 .LBB2_2-.Ltmp0, $4  }
0x17: {  	v1 =	vadd.s32 $0xFFFFFF80, v0  }
0x18: {  	vm0 =	vgt.s32 v1, $0x0  }
0x19: {  	s15 =	sshra.s32 s14, $0x2;
	v1 =	vnsel vm0, $0x0, v1  }
0x1a: {  	s14 =	sadd.s32 $0x40, s14;
	v0 =	vld [tilespmem:s15+$0x1900];
	[tilespmem:s13+$0x3200] =	vst v1;
	s13 =	smov.u32 s15  }
0x1b: {  	_ =	sdelay $0x3  }
0x1c: {  	v0 =	vadd.s32 $0xFFFFFF80, v0  }
0x1d: {  	vm0 =	vgt.s32 v0, $0x0  }
0x1e: {  	v0 =	vnsel vm0, $0x0, v0  }
0x1f: {  	[tilespmem:s13+$0x3200] =	vst v0  }
0x20: {  	[hbm4b:s5+s3] =	stream.linear.scatter [tilespmem:s9], [sflag:$0x2], $0x1900, $0x38;
	[tilespmem:$0x4B00] =	vst v63  }
0x21: {  	s12 =	sadd.s32 $0x1, s12;
	_ =	swait.ge [sflag:s8], $0x1900  }
0x22: {  	p0 =	sne.s32 s12, s7;
	[sflag:s8] =	ssyncset.done $0x0  }
.Ltmp1:
0x23: {  	[sflag:s8] =	ssyncadd.s32 $0xFFFFE700;
	(pc) =	sbr.rel @p0 .LBB2_1-.Ltmp1, $4  }
0x24: {  	[hbm4b:s6+s3] =	stream.linear.scatter [tilespmem:s11], [sflag:$0x2], $0x1900, $0x38;
	[tilespmem:$0x4B00] =	vst v63  }
0x25: {  	_ =	swait.ge [sflag:s8], $0x1900  }
0x26: {  	[sflag:s8] =	ssyncset.done $0x0  }
0x27: {  	[sflag:s8] =	ssyncadd.s32 $0xFFFFE700  }
0x28: {  	_ =	sfence.sel $0x180000  }
0x29: {  	[bflag:$0x0] =	sbarrier.arrive $0xFFFF  }
0x2a: {  	p0 =	sne.s32 s0, $0x0;
	_ =	strace $0x90000047  }
0x2b: {  	s0 =	sadd.s32 @!p0 $0x100000, s1;
	[bflag:$0x2] =	sbarrier.arrive $0xFFFF  }
0x2c: {  	[sflag:s0] =	ssyncadd.tile.s32 @!p0 $0x1;
	_ =	shalt  }
.Lfunc_end2:
_tile_overlayer_lowered:
.L_overlay_start_2:
0x2d: {  	(tag) =	ssettag $0x2  }
0x2e: {  	s0 =	rddreg [dreg:$0x0];
	s2 =	stileid.u32  }
0x2f: {  	s1 =	rddreg [dreg:$0x1];
	p0 =	sne.s32 s2, $0x0  }
0x30: {  	s3 =	rddreg [dreg:$0x2];
	[bflag:$0x3] =	sbarrier.arrive $0xFFFF;
	s2 =	simm.s32 @!p0 $0x1C02  }
0x31: {  	[timem:s3], [sflag:s2] =	dma.local @!p0 [hbm:s0], s1  }
0x32: {  	s0 =	simm.s32 @!p0 $0x2  }
0x33: {  	_ =	swait.ge @!p0 [sflag:s0], s1  }
0x34: {  	s1 =	ssub.s32 @!p0 $0x0, s1;
	[sflag:s0] =	ssyncset.done @!p0 $0x0  }
0x35: {  	[sflag:s0] =	ssyncadd.s32 @!p0 s1  }
0x36: {  	[bflag:$0x3] =	sbarrier.arrive $0xFFFF  }
0x37: {  	_ =	shalt  }

</sc_bundles>
